<compile_context>
chip_gen: v7x
topology: tpu7x:2x2x1
jax: 0.10.2.dev20260603
libtpu: 0.0.44.dev20260713+nightly
codegen_flags: <defaults>
</compile_context>

<pallas_src>
import functools

import jax
import jax.numpy as jnp
from jax import lax
from jax.experimental import pallas as pl
from jax.experimental.pallas import tpu as pltpu
from jax.experimental.pallas import tpu_sc as plsc

DIV = 3600
MOD = 168
D = 64
DP = 128

NC = 2
NS = 16
NW = NC * NS

GSUB = 128
NSUB = 1
K = GSUB * NSUB
NBUF = 4


def kernel(x, emb):
    n_rows, n_cols = x.shape
    B = n_rows * n_cols
    assert B % (NW * K * NBUF) == 0
    per_w = B // NW
    chunks = per_w // K

    xf = x.reshape(B)
    emb_p = jnp.pad(emb, ((0, 0), (0, DP - D)))
    mesh = plsc.VectorSubcoreMesh(core_axis_name="c", subcore_axis_name="s")

    @functools.partial(
        pl.kernel,
        mesh=mesh,
        out_type=jax.ShapeDtypeStruct((B, DP), jnp.float32),
        scratch_types=[
            [pltpu.VMEM((K,), jnp.int32) for _ in range(NBUF)],
            [pltpu.VMEM((NSUB, GSUB), jnp.int32) for _ in range(NBUF)],
            [pltpu.VMEM((K, DP), jnp.float32) for _ in range(NBUF)],
            [pltpu.SemaphoreType.DMA for _ in range(NBUF)],
            [pltpu.SemaphoreType.DMA for _ in range(NBUF)],
            [pltpu.SemaphoreType.DMA for _ in range(NBUF)],
            pltpu.VMEM_SHARED((MOD, DP), jnp.float32),
        ],
    )
    def k(x_hbm, emb_hbm, out_hbm, x_v, idx_v, rows_v, xsem, gsem, wsem,
          emb_sh):
        wid = lax.axis_index("s") * NC + lax.axis_index("c")
        w_base = wid * per_w

        @pl.when(lax.axis_index("s") == 0)
        def _():
            pltpu.sync_copy(emb_hbm, emb_sh)
        plsc.subcore_barrier()

        def xload(c, b):
            return pltpu.make_async_copy(
                x_hbm.at[pl.ds(w_base + c * K, K)], x_v[b], xsem[b])

        def gather(b, j):
            return pltpu.make_async_copy(
                emb_sh.at[idx_v[b].at[j]],
                rows_v[b].at[pl.ds(j * GSUB, GSUB)],
                gsem[b],
            )

        def wrout(c, b):
            return pltpu.make_async_copy(
                rows_v[b],
                out_hbm.at[pl.ds(w_base + c * K, K)],
                wsem[b],
            )

        def compute_idx(b):
            for j in range(NSUB):
                def vec_body(i, _, j=j):
                    xs = x_v[b][pl.ds(j * GSUB + i * 16, 16)]
                    q = (xs.astype(jnp.float32) * (1.0 / DIV)).astype(
                        jnp.int32)
                    r = xs - q * DIV
                    q = q + jnp.where(r >= DIV, 1, 0) - jnp.where(r < 0, 1, 0)
                    t = (q.astype(jnp.float32) * (1.0 / MOD)).astype(
                        jnp.int32)
                    m = q - t * MOD
                    m = jnp.where(m >= MOD, m - MOD, m)
                    m = jnp.where(m < 0, m + MOD, m)
                    idx_v[b][j, pl.ds(i * 16, 16)] = m
                    return 0
                lax.fori_loop(0, GSUB // 16, vec_body, 0)

        for b in range(NBUF):
            xload(b, b).start()

        def outer(i, _):
            for db in range(NBUF):
                c = i * NBUF + db
                prev = (db - 1) % NBUF
                xload(c, db).wait()
                compute_idx(db)

                @pl.when(c >= NBUF)
                def _():
                    wrout(c - NBUF, db).wait()

                for j in range(NSUB):
                    gather(db, j).start()

                @pl.when(c < chunks - NBUF)
                def _():
                    xload(c + NBUF, db).start()

                @pl.when(c >= 1)
                def _():
                    for j in range(NSUB):
                        gather(prev, j).wait()
                    wrout(c - 1, prev).start()
            return 0

        lax.fori_loop(0, chunks // NBUF, outer, 0)

        last = (chunks - 1) % NBUF
        for j in range(NSUB):
            gather(last, j).wait()
        wrout(chunks - 1, last).start()
        wrout(chunks - NBUF, (last + 1) % NBUF).wait()
        wrout(chunks - 1, last).wait()

    out = k(xf, emb_p)
    return out.reshape(n_rows, n_cols, DP)[:, :, :D]

# --- scband reference (transcript-rebuilt; emitter-appended) ---
"""Pipeline reference for scband-pattern-from-timelocal-29042568855742 (READ-ONLY COPY).

The authoritative reference and input builder live on the scoring server;
editing this copy changes nothing except your own understanding.
"""

import jax, jax.numpy as jnp
import numpy as np

DIV = 3600
MOD = 168
EMB_DIM = 64

def setup_inputs(seed: int = 0) -> dict:
    key = jax.random.key(seed)
    k1, k2 = jax.random.split(key)
    x = jax.random.randint(k1, (16384, 200), 0, 1700000000, dtype=jnp.int64) if jax.config.jax_enable_x64 else jax.random.randint(k1, (16384, 200), 0, 1700000000, dtype=jnp.int32)
    emb = jax.random.normal(k2, (MOD, EMB_DIM), dtype=jnp.float32)
    return {"x": x, "emb": emb}

def reference(x, emb):
    # index = (x.long() // div) % mod
    index = jnp.remainder(jnp.floor_divide(x.astype(jnp.int32), DIV), MOD)
    # embedding lookup -> gather rows from table
    return jnp.take(emb, index, axis=0)

if __name__ == "__main__":
    import jax
    _d = setup_inputs()
    print(jax.jit(kernel)(*tuple(_d.values())))

</pallas_src>

<mosaic_0001>
#map = affine_map<(d0, d1) -> (0)>
#map1 = affine_map<(d0, d1) -> (0, 0)>
module attributes {stable_mosaic.version = 14 : i64} {
  func.func @k(%arg0: i32, %arg1: i32, %arg2: memref<3276800xi32, #tpu.memory_space<hbm>>, %arg3: memref<168x128xf32, #tpu.memory_space<hbm>>, %arg4: memref<3276800x128xf32, #tpu.memory_space<hbm>>, %arg5: memref<128xi32, #tpu.memory_space<vmem>>, %arg6: memref<128xi32, #tpu.memory_space<vmem>>, %arg7: memref<128xi32, #tpu.memory_space<vmem>>, %arg8: memref<128xi32, #tpu.memory_space<vmem>>, %arg9: memref<1x128xi32, #tpu.memory_space<vmem>>, %arg10: memref<1x128xi32, #tpu.memory_space<vmem>>, %arg11: memref<1x128xi32, #tpu.memory_space<vmem>>, %arg12: memref<1x128xi32, #tpu.memory_space<vmem>>, %arg13: memref<128x128xf32, #tpu.memory_space<vmem>>, %arg14: memref<128x128xf32, #tpu.memory_space<vmem>>, %arg15: memref<128x128xf32, #tpu.memory_space<vmem>>, %arg16: memref<128x128xf32, #tpu.memory_space<vmem>>, %arg17: memref<!tpu.dma_semaphore, #tpu.memory_space<semaphore_mem>>, %arg18: memref<!tpu.dma_semaphore, #tpu.memory_space<semaphore_mem>>, %arg19: memref<!tpu.dma_semaphore, #tpu.memory_space<semaphore_mem>>, %arg20: memref<!tpu.dma_semaphore, #tpu.memory_space<semaphore_mem>>, %arg21: memref<!tpu.dma_semaphore, #tpu.memory_space<semaphore_mem>>, %arg22: memref<!tpu.dma_semaphore, #tpu.memory_space<semaphore_mem>>, %arg23: memref<!tpu.dma_semaphore, #tpu.memory_space<semaphore_mem>>, %arg24: memref<!tpu.dma_semaphore, #tpu.memory_space<semaphore_mem>>, %arg25: memref<!tpu.dma_semaphore, #tpu.memory_space<semaphore_mem>>, %arg26: memref<!tpu.dma_semaphore, #tpu.memory_space<semaphore_mem>>, %arg27: memref<!tpu.dma_semaphore, #tpu.memory_space<semaphore_mem>>, %arg28: memref<!tpu.dma_semaphore, #tpu.memory_space<semaphore_mem>>, %arg29: memref<168x128xf32, #tpu.memory_space<vmem_shared>>) attributes {dimension_semantics = [#tpu.dimension_semantics<core_parallel>, #tpu.dimension_semantics<subcore_parallel>], iteration_bounds = array<i64: 2, 16>, scalar_prefetch = 0 : i64, scratch_operands = 25 : i64, tpu.core_type = #tpu.core_type<sc_vector_subcore>, window_params = [{transform_indices = #map}, {transform_indices = #map1}, {transform_indices = #map1}]} {
    %mul3A = arith.constant 2 : i32
    %mul3A_0 = arith.muli %arg1, %mul3A : i32
    %add3A = arith.addi %mul3A_0, %arg0 : i32
    %mul3A_1 = arith.constant 102400 : i32
    %mul3A_2 = arith.muli %add3A, %mul3A_1 : i32
    %eq3A = arith.constant 0 : i32
    %eq3A_3 = arith.cmpi eq, %arg1, %eq3A : i32
    %convert_element_type3A = arith.extui %eq3A_3 : i1 to i32
    %cond3A = arith.constant 0 : i32
    %cond3A_4 = arith.cmpi ne, %convert_element_type3A, %cond3A : i32
    scf.if %cond3A_4 {
      "tpu.region"() ({
        %run_scoped3A = tpu.sem_alloc : memref<!tpu.dma_semaphore, #tpu.memory_space<semaphore_mem>>
        tpu.enqueue_dma source(%arg3 : memref<168x128xf32, #tpu.memory_space<hbm>>) target(%arg29 : memref<168x128xf32, #tpu.memory_space<vmem_shared>>) target_semaphore(%run_scoped3A : memref<!tpu.dma_semaphore, #tpu.memory_space<semaphore_mem>>)
        tpu.wait_dma2 semaphore(%run_scoped3A : memref<!tpu.dma_semaphore, #tpu.memory_space<semaphore_mem>>) src(%arg3 : memref<168x128xf32, #tpu.memory_space<hbm>>) dst(%arg29 : memref<168x128xf32, #tpu.memory_space<vmem_shared>>)
        tpu.yield
      }) : () -> ()
    } else {
    }
    %barrier3A = arith.constant 0 : index
    tpu.barrier barrier_id(%barrier3A)
    %add3A_5 = arith.constant 0 : i32
    %add3A_6 = arith.addi %mul3A_2, %add3A_5 : i32
    %dma_start3A = tpu.memref_slice %arg2[%add3A_6] : memref<3276800xi32, #tpu.memory_space<hbm>> -> memref<128xi32, #tpu.memory_space<hbm>>
    %dma_start3A_7 = tpu.memref_slice %arg2[%add3A_6] : memref<3276800xi32, #tpu.memory_space<hbm>> -> memref<128xi32, #tpu.memory_space<hbm>>
    tpu.enqueue_dma source(%dma_start3A_7 : memref<128xi32, #tpu.memory_space<hbm>>) target(%arg5 : memref<128xi32, #tpu.memory_space<vmem>>) target_semaphore(%arg17 : memref<!tpu.dma_semaphore, #tpu.memory_space<semaphore_mem>>)
    %add3A_8 = arith.constant 128 : i32
    %add3A_9 = arith.addi %mul3A_2, %add3A_8 : i32
    %dma_start3A_10 = tpu.memref_slice %arg2[%add3A_9] : memref<3276800xi32, #tpu.memory_space<hbm>> -> memref<128xi32, #tpu.memory_space<hbm>>
    %dma_start3A_11 = tpu.memref_slice %arg2[%add3A_9] : memref<3276800xi32, #tpu.memory_space<hbm>> -> memref<128xi32, #tpu.memory_space<hbm>>
    tpu.enqueue_dma source(%dma_start3A_11 : memref<128xi32, #tpu.memory_space<hbm>>) target(%arg6 : memref<128xi32, #tpu.memory_space<vmem>>) target_semaphore(%arg18 : memref<!tpu.dma_semaphore, #tpu.memory_space<semaphore_mem>>)
    %add3A_12 = arith.constant 256 : i32
    %add3A_13 = arith.addi %mul3A_2, %add3A_12 : i32
    %dma_start3A_14 = tpu.memref_slice %arg2[%add3A_13] : memref<3276800xi32, #tpu.memory_space<hbm>> -> memref<128xi32, #tpu.memory_space<hbm>>
    %dma_start3A_15 = tpu.memref_slice %arg2[%add3A_13] : memref<3276800xi32, #tpu.memory_space<hbm>> -> memref<128xi32, #tpu.memory_space<hbm>>
    tpu.enqueue_dma source(%dma_start3A_15 : memref<128xi32, #tpu.memory_space<hbm>>) target(%arg7 : memref<128xi32, #tpu.memory_space<vmem>>) target_semaphore(%arg19 : memref<!tpu.dma_semaphore, #tpu.memory_space<semaphore_mem>>)
    %add3A_16 = arith.constant 384 : i32
    %add3A_17 = arith.addi %mul3A_2, %add3A_16 : i32
    %dma_start3A_18 = tpu.memref_slice %arg2[%add3A_17] : memref<3276800xi32, #tpu.memory_space<hbm>> -> memref<128xi32, #tpu.memory_space<hbm>>
    %dma_start3A_19 = tpu.memref_slice %arg2[%add3A_17] : memref<3276800xi32, #tpu.memory_space<hbm>> -> memref<128xi32, #tpu.memory_space<hbm>>
    tpu.enqueue_dma source(%dma_start3A_19 : memref<128xi32, #tpu.memory_space<hbm>>) target(%arg8 : memref<128xi32, #tpu.memory_space<vmem>>) target_semaphore(%arg20 : memref<!tpu.dma_semaphore, #tpu.memory_space<semaphore_mem>>)
    %scan3A = arith.constant 0 : i32
    %scan3A_20 = arith.constant 0 : i32
    %scan3A_21 = arith.constant 200 : i32
    %scan3A_22 = arith.addi %scan3A_20, %scan3A_21 : i32
    %scan3A_23 = arith.constant 1 : i32
    %scan3A_24 = scf.for %scan3A_53 = %scan3A_20 to %scan3A_22 step %scan3A_23 iter_args(%scan3A_54 = %scan3A) -> (i32)  : i32 {
      %mul3A_55 = arith.constant 4 : i32
      %mul3A_56 = arith.muli %scan3A_53, %mul3A_55 : i32
      %add3A_57 = arith.constant 0 : i32
      %add3A_58 = arith.addi %mul3A_56, %add3A_57 : i32
      %mul3A_59 = arith.constant 128 : i32
      %mul3A_60 = arith.muli %add3A_58, %mul3A_59 : i32
      %add3A_61 = arith.addi %mul3A_2, %mul3A_60 : i32
      %dma_wait3A_62 = tpu.memref_slice %arg2[%add3A_61] : memref<3276800xi32, #tpu.memory_space<hbm>> -> memref<128xi32, #tpu.memory_space<hbm>>
      %dma_wait3A_63 = tpu.memref_slice %arg2[%add3A_61] : memref<3276800xi32, #tpu.memory_space<hbm>> -> memref<128xi32, #tpu.memory_space<hbm>>
      tpu.wait_dma2 semaphore(%arg17 : memref<!tpu.dma_semaphore, #tpu.memory_space<semaphore_mem>>) src(%dma_wait3A_63 : memref<128xi32, #tpu.memory_space<hbm>>) dst(%arg5 : memref<128xi32, #tpu.memory_space<vmem>>)
      %scan3A_64 = arith.constant 0 : i32
      %scan3A_65 = arith.constant 0 : i32
      %scan3A_66 = arith.constant 8 : i32
      %scan3A_67 = arith.addi %scan3A_65, %scan3A_66 : i32
      %scan3A_68 = arith.constant 1 : i32
      %scan3A_69 = scf.for %scan3A_218 = %scan3A_65 to %scan3A_67 step %scan3A_68 iter_args(%scan3A_219 = %scan3A_64) -> (i32)  : i32 {
        %mul3A_220 = arith.constant 16 : i32
        %mul3A_221 = arith.muli %scan3A_218, %mul3A_220 : i32
        %add3A_222 = arith.constant 0 : i32
        %add3A_223 = arith.addi %add3A_222, %mul3A_221 : i32
        %get3A = arith.index_cast %add3A_223 : i32 to index
        %get3A_224 = tpu.vector_load %arg5[%get3A] {strides = array<i32>} : memref<128xi32, #tpu.memory_space<vmem>>, vector<16xi32>,
        %get3A_225 = vector.shape_cast %get3A_224 : vector<16xi32> to vector<16xi32>
        %convert_element_type3A_226 = arith.sitofp %get3A_225 : vector<16xi32> to vector<16xf32>
        %mul3A_227 = arith.constant 2.77777785E-4 : f32
        %mul3A_228 = vector.broadcast %mul3A_227 : f32 to vector<16xf32>
        %mul3A_229 = arith.mulf %convert_element_type3A_226, %mul3A_228 : vector<16xf32>
        %convert_element_type3A_230 = arith.fptosi %mul3A_229 : vector<16xf32> to vector<16xi32>
        %mul3A_231 = arith.constant 3600 : i32
        %mul3A_232 = vector.broadcast %mul3A_231 : i32 to vector<16xi32>
        %mul3A_233 = arith.muli %convert_element_type3A_230, %mul3A_232 : vector<16xi32>
        %sub3A = arith.subi %get3A_225, %mul3A_233 : vector<16xi32>
        %ge3A_234 = arith.constant 3600 : i32
        %ge3A_235 = vector.broadcast %ge3A_234 : i32 to vector<16xi32>
        %ge3A_236 = arith.cmpi sge, %sub3A, %ge3A_235 : vector<16xi32>
        %jit3A = arith.constant 1 : i32
        %jit3A_237 = arith.constant 0 : i32
        %broadcast_in_dim3A = vector.broadcast %jit3A : i32 to vector<16xi32>
        %broadcast_in_dim3A_238 = vector.broadcast %jit3A_237 : i32 to vector<16xi32>
        %select_n3A = arith.select %ge3A_236, %broadcast_in_dim3A, %broadcast_in_dim3A_238 : vector<16xi1>, vector<16xi32>
        %add3A_239 = arith.addi %convert_element_type3A_230, %select_n3A : vector<16xi32>
        %lt3A_240 = arith.constant 0 : i32
        %lt3A_241 = vector.broadcast %lt3A_240 : i32 to vector<16xi32>
        %lt3A_242 = arith.cmpi slt, %sub3A, %lt3A_241 : vector<16xi32>
        %jit3A_243 = arith.constant 1 : i32
        %jit3A_244 = arith.constant 0 : i32
        %broadcast_in_dim3A_245 = vector.broadcast %jit3A_243 : i32 to vector<16xi32>
        %broadcast_in_dim3A_246 = vector.broadcast %jit3A_244 : i32 to vector<16xi32>
        %select_n3A_247 = arith.select %lt3A_242, %broadcast_in_dim3A_245, %broadcast_in_dim3A_246 : vector<16xi1>, vector<16xi32>
        %sub3A_248 = arith.subi %add3A_239, %select_n3A_247 : vector<16xi32>
        %convert_element_type3A_249 = arith.sitofp %sub3A_248 : vector<16xi32> to vector<16xf32>
        %mul3A_250 = arith.constant 0.00595238106 : f32
        %mul3A_251 = vector.broadcast %mul3A_250 : f32 to vector<16xf32>
        %mul3A_252 = arith.mulf %convert_element_type3A_249, %mul3A_251 : vector<16xf32>
        %convert_element_type3A_253 = arith.fptosi %mul3A_252 : vector<16xf32> to vector<16xi32>
        %mul3A_254 = arith.constant 168 : i32
        %mul3A_255 = vector.broadcast %mul3A_254 : i32 to vector<16xi32>
        %mul3A_256 = arith.muli %convert_element_type3A_253, %mul3A_255 : vector<16xi32>
        %sub3A_257 = arith.subi %sub3A_248, %mul3A_256 : vector<16xi32>
        %ge3A_258 = arith.constant 168 : i32
        %ge3A_259 = vector.broadcast %ge3A_258 : i32 to vector<16xi32>
        %ge3A_260 = arith.cmpi sge, %sub3A_257, %ge3A_259 : vector<16xi32>
        %sub3A_261 = arith.constant 168 : i32
        %sub3A_262 = vector.broadcast %sub3A_261 : i32 to vector<16xi32>
        %sub3A_263 = arith.subi %sub3A_257, %sub3A_262 : vector<16xi32>
        %select_n3A_264 = arith.select %ge3A_260, %sub3A_263, %sub3A_257 : vector<16xi1>, vector<16xi32>
        %lt3A_265 = arith.constant 0 : i32
        %lt3A_266 = vector.broadcast %lt3A_265 : i32 to vector<16xi32>
        %lt3A_267 = arith.cmpi slt, %select_n3A_264, %lt3A_266 : vector<16xi32>
        %add3A_268 = arith.constant 168 : i32
        %add3A_269 = vector.broadcast %add3A_268 : i32 to vector<16xi32>
        %add3A_270 = arith.addi %select_n3A_264, %add3A_269 : vector<16xi32>
        %select_n3A_271 = arith.select %lt3A_267, %add3A_270, %select_n3A_264 : vector<16xi1>, vector<16xi32>
        %mul3A_272 = arith.constant 16 : i32
        %mul3A_273 = arith.muli %scan3A_218, %mul3A_272 : i32
        %swap3A = arith.constant 0 : i32
        %swap3A_274 = arith.index_cast %swap3A : i32 to index
        %swap3A_275 = arith.index_cast %mul3A_273 : i32 to index
        %swap3A_276 = tpu.vector_load %arg9[%swap3A_274, %swap3A_275] {strides = array<i32>} : memref<1x128xi32, #tpu.memory_space<vmem>>, vector<1x16xi32>,
        %swap3A_277 = vector.shape_cast %swap3A_276 : vector<1x16xi32> to vector<16xi32>
        %swap3A_278 = vector.shape_cast %select_n3A_271 : vector<16xi32> to vector<1x16xi32>
        tpu.vector_store %arg9[%swap3A_274, %swap3A_275], %swap3A_278 {strides = array<i32>} : memref<1x128xi32, #tpu.memory_space<vmem>>, vector<1x16xi32>,
        %scan3A_279 = arith.constant 0 : i32
        scf.yield %scan3A_279 : i32
      }
      %scan3A_70 = arith.constant 8 : i32
      %ge3A = arith.constant 4 : i32
      %ge3A_71 = arith.cmpi sge, %add3A_58, %ge3A : i32
      %convert_element_type3A_72 = arith.extui %ge3A_71 : i1 to i32
      %cond3A_73 = arith.constant 0 : i32
      %cond3A_74 = arith.cmpi ne, %convert_element_type3A_72, %cond3A_73 : i32
      scf.if %cond3A_74 {
        %sub3A = arith.constant 4 : i32
        %sub3A_218 = arith.subi %add3A_58, %sub3A : i32
        %mul3A_219 = arith.constant 128 : i32
        %mul3A_220 = arith.muli %sub3A_218, %mul3A_219 : i32
        %add3A_221 = arith.addi %mul3A_2, %mul3A_220 : i32
        %dma_wait3A_222 = arith.constant 0 : i32
        %dma_wait3A_223 = tpu.memref_slice %arg4[%add3A_221, %dma_wait3A_222] : memref<3276800x128xf32, #tpu.memory_space<hbm>> -> memref<128x128xf32, #tpu.memory_space<hbm>>
        %dma_wait3A_224 = arith.constant 0 : i32
        %dma_wait3A_225 = tpu.memref_slice %arg4[%add3A_221, %dma_wait3A_224] : memref<3276800x128xf32, #tpu.memory_space<hbm>> -> memref<128x128xf32, #tpu.memory_space<hbm>>
        tpu.wait_dma2 semaphore(%arg25 : memref<!tpu.dma_semaphore, #tpu.memory_space<semaphore_mem>>) src(%arg13 : memref<128x128xf32, #tpu.memory_space<vmem>>) dst(%dma_wait3A_225 : memref<128x128xf32, #tpu.memory_space<hbm>>)
      } else {
      }
      %dma_start3A_75 = arith.constant 0 : i32
      %dma_start3A_76 = arith.constant 0 : i32
      %dma_start3A_77 = arith.constant 0 : i32
      %dma_start3A_78 = tpu.memref_slice %arg13[%dma_start3A_76, %dma_start3A_77] : memref<128x128xf32, #tpu.memory_space<vmem>> -> memref<128x128xf32, #tpu.memory_space<vmem>>
      %dma_start3A_79 = arith.constant 0 : i32
      %dma_start3A_80 = tpu.memref_slice %arg9[%dma_start3A_75, %dma_start3A_79] : memref<1x128xi32, #tpu.memory_space<vmem>> -> memref<1x128xi32, #tpu.memory_space<vmem>>
      %dma_start3A_81 = tpu.memref_squeeze %dma_start3A_80 : memref<1x128xi32, #tpu.memory_space<vmem>> -> memref<128xi32, #tpu.memory_space<vmem>>
      %dma_start3A_82 = arith.constant 0 : i32
      %dma_start3A_83 = arith.constant 0 : i32
      %dma_start3A_84 = tpu.memref_slice %arg29[%dma_start3A_82, %dma_start3A_83] : memref<168x128xf32, #tpu.memory_space<vmem_shared>> -> memref<168x128xf32, #tpu.memory_space<vmem_shared>>
      tpu.enqueue_indirect_dma source(%dma_start3A_84 : memref<168x128xf32, #tpu.memory_space<vmem_shared>>) target(%dma_start3A_78 : memref<128x128xf32, #tpu.memory_space<vmem>>) offsets(%dma_start3A_81 : memref<128xi32, #tpu.memory_space<vmem>>) semaphore(%arg21 : memref<!tpu.dma_semaphore, #tpu.memory_space<semaphore_mem>>)
      %lt3A = arith.constant 796 : i32
      %lt3A_85 = arith.cmpi slt, %add3A_58, %lt3A : i32
      %convert_element_type3A_86 = arith.extui %lt3A_85 : i1 to i32
      %cond3A_87 = arith.constant 0 : i32
      %cond3A_88 = arith.cmpi ne, %convert_element_type3A_86, %cond3A_87 : i32
      scf.if %cond3A_88 {
        %add3A_218 = arith.constant 4 : i32
        %add3A_219 = arith.addi %add3A_58, %add3A_218 : i32
        %mul3A_220 = arith.constant 128 : i32
        %mul3A_221 = arith.muli %add3A_219, %mul3A_220 : i32
        %add3A_222 = arith.addi %mul3A_2, %mul3A_221 : i32
        %dma_start3A_223 = tpu.memref_slice %arg2[%add3A_222] : memref<3276800xi32, #tpu.memory_space<hbm>> -> memref<128xi32, #tpu.memory_space<hbm>>
        %dma_start3A_224 = tpu.memref_slice %arg2[%add3A_222] : memref<3276800xi32, #tpu.memory_space<hbm>> -> memref<128xi32, #tpu.memory_space<hbm>>
        tpu.enqueue_dma source(%dma_start3A_224 : memref<128xi32, #tpu.memory_space<hbm>>) target(%arg5 : memref<128xi32, #tpu.memory_space<vmem>>) target_semaphore(%arg17 : memref<!tpu.dma_semaphore, #tpu.memory_space<semaphore_mem>>)
      } else {
      }
      %ge3A_89 = arith.constant 1 : i32
      %ge3A_90 = arith.cmpi sge, %add3A_58, %ge3A_89 : i32
      %convert_element_type3A_91 = arith.extui %ge3A_90 : i1 to i32
      %cond3A_92 = arith.constant 0 : i32
      %cond3A_93 = arith.cmpi ne, %convert_element_type3A_91, %cond3A_92 : i32
      scf.if %cond3A_93 {
        %dma_wait3A_218 = arith.constant 0 : i32
        %dma_wait3A_219 = arith.constant 0 : i32
        %dma_wait3A_220 = arith.constant 0 : i32
        %dma_wait3A_221 = tpu.memref_slice %arg16[%dma_wait3A_219, %dma_wait3A_220] : memref<128x128xf32, #tpu.memory_space<vmem>> -> memref<128x128xf32, #tpu.memory_space<vmem>>
        %dma_wait3A_222 = arith.constant 0 : i32
        %dma_wait3A_223 = tpu.memref_slice %arg12[%dma_wait3A_218, %dma_wait3A_222] : memref<1x128xi32, #tpu.memory_space<vmem>> -> memref<1x128xi32, #tpu.memory_space<vmem>>
        %dma_wait3A_224 = tpu.memref_squeeze %dma_wait3A_223 : memref<1x128xi32, #tpu.memory_space<vmem>> -> memref<128xi32, #tpu.memory_space<vmem>>
        %dma_wait3A_225 = arith.constant 0 : i32
        %dma_wait3A_226 = arith.constant 0 : i32
        %dma_wait3A_227 = tpu.memref_slice %arg29[%dma_wait3A_225, %dma_wait3A_226] : memref<168x128xf32, #tpu.memory_space<vmem_shared>> -> memref<168x128xf32, #tpu.memory_space<vmem_shared>>
        tpu.wait_indirect_dma semaphore(%arg24 : memref<!tpu.dma_semaphore, #tpu.memory_space<semaphore_mem>>) src(%dma_wait3A_227 : memref<168x128xf32, #tpu.memory_space<vmem_shared>>) dst(%dma_wait3A_221 : memref<128x128xf32, #tpu.memory_space<vmem>>)
        %sub3A = arith.constant 1 : i32
        %sub3A_228 = arith.subi %add3A_58, %sub3A : i32
        %mul3A_229 = arith.constant 128 : i32
        %mul3A_230 = arith.muli %sub3A_228, %mul3A_229 : i32
        %add3A_231 = arith.addi %mul3A_2, %mul3A_230 : i32
        %dma_start3A_232 = arith.constant 0 : i32
        %dma_start3A_233 = tpu.memref_slice %arg4[%add3A_231, %dma_start3A_232] : memref<3276800x128xf32, #tpu.memory_space<hbm>> -> memref<128x128xf32, #tpu.memory_space<hbm>>
        %dma_start3A_234 = arith.constant 0 : i32
        %dma_start3A_235 = tpu.memref_slice %arg4[%add3A_231, %dma_start3A_234] : memref<3276800x128xf32, #tpu.memory_space<hbm>> -> memref<128x128xf32, #tpu.memory_space<hbm>>
        tpu.enqueue_dma source(%arg16 : memref<128x128xf32, #tpu.memory_space<vmem>>) target(%dma_start3A_235 : memref<128x128xf32, #tpu.memory_space<hbm>>) target_semaphore(%arg28 : memref<!tpu.dma_semaphore, #tpu.memory_space<semaphore_mem>>)
      } else {
      }
      %mul3A_94 = arith.constant 4 : i32
      %mul3A_95 = arith.muli %scan3A_53, %mul3A_94 : i32
      %add3A_96 = arith.constant 1 : i32
      %add3A_97 = arith.addi %mul3A_95, %add3A_96 : i32
      %mul3A_98 = arith.constant 128 : i32
      %mul3A_99 = arith.muli %add3A_97, %mul3A_98 : i32
      %add3A_100 = arith.addi %mul3A_2, %mul3A_99 : i32
      %dma_wait3A_101 = tpu.memref_slice %arg2[%add3A_100] : memref<3276800xi32, #tpu.memory_space<hbm>> -> memref<128xi32, #tpu.memory_space<hbm>>
      %dma_wait3A_102 = tpu.memref_slice %arg2[%add3A_100] : memref<3276800xi32, #tpu.memory_space<hbm>> -> memref<128xi32, #tpu.memory_space<hbm>>
      tpu.wait_dma2 semaphore(%arg18 : memref<!tpu.dma_semaphore, #tpu.memory_space<semaphore_mem>>) src(%dma_wait3A_102 : memref<128xi32, #tpu.memory_space<hbm>>) dst(%arg6 : memref<128xi32, #tpu.memory_space<vmem>>)
      %scan3A_103 = arith.constant 0 : i32
      %scan3A_104 = arith.constant 0 : i32
      %scan3A_105 = arith.constant 8 : i32
      %scan3A_106 = arith.addi %scan3A_104, %scan3A_105 : i32
      %scan3A_107 = arith.constant 1 : i32
      %scan3A_108 = scf.for %scan3A_218 = %scan3A_104 to %scan3A_106 step %scan3A_107 iter_args(%scan3A_219 = %scan3A_103) -> (i32)  : i32 {
        %mul3A_220 = arith.constant 16 : i32
        %mul3A_221 = arith.muli %scan3A_218, %mul3A_220 : i32
        %add3A_222 = arith.constant 0 : i32
        %add3A_223 = arith.addi %add3A_222, %mul3A_221 : i32
        %get3A = arith.index_cast %add3A_223 : i32 to index
        %get3A_224 = tpu.vector_load %arg6[%get3A] {strides = array<i32>} : memref<128xi32, #tpu.memory_space<vmem>>, vector<16xi32>,
        %get3A_225 = vector.shape_cast %get3A_224 : vector<16xi32> to vector<16xi32>
        %convert_element_type3A_226 = arith.sitofp %get3A_225 : vector<16xi32> to vector<16xf32>
        %mul3A_227 = arith.constant 2.77777785E-4 : f32
        %mul3A_228 = vector.broadcast %mul3A_227 : f32 to vector<16xf32>
        %mul3A_229 = arith.mulf %convert_element_type3A_226, %mul3A_228 : vector<16xf32>
        %convert_element_type3A_230 = arith.fptosi %mul3A_229 : vector<16xf32> to vector<16xi32>
        %mul3A_231 = arith.constant 3600 : i32
        %mul3A_232 = vector.broadcast %mul3A_231 : i32 to vector<16xi32>
        %mul3A_233 = arith.muli %convert_element_type3A_230, %mul3A_232 : vector<16xi32>
        %sub3A = arith.subi %get3A_225, %mul3A_233 : vector<16xi32>
        %ge3A_234 = arith.constant 3600 : i32
        %ge3A_235 = vector.broadcast %ge3A_234 : i32 to vector<16xi32>
        %ge3A_236 = arith.cmpi sge, %sub3A, %ge3A_235 : vector<16xi32>
        %jit3A = arith.constant 1 : i32
        %jit3A_237 = arith.constant 0 : i32
        %broadcast_in_dim3A = vector.broadcast %jit3A : i32 to vector<16xi32>
        %broadcast_in_dim3A_238 = vector.broadcast %jit3A_237 : i32 to vector<16xi32>
        %select_n3A = arith.select %ge3A_236, %broadcast_in_dim3A, %broadcast_in_dim3A_238 : vector<16xi1>, vector<16xi32>
        %add3A_239 = arith.addi %convert_element_type3A_230, %select_n3A : vector<16xi32>
        %lt3A_240 = arith.constant 0 : i32
        %lt3A_241 = vector.broadcast %lt3A_240 : i32 to vector<16xi32>
        %lt3A_242 = arith.cmpi slt, %sub3A, %lt3A_241 : vector<16xi32>
        %jit3A_243 = arith.constant 1 : i32
        %jit3A_244 = arith.constant 0 : i32
        %broadcast_in_dim3A_245 = vector.broadcast %jit3A_243 : i32 to vector<16xi32>
        %broadcast_in_dim3A_246 = vector.broadcast %jit3A_244 : i32 to vector<16xi32>
        %select_n3A_247 = arith.select %lt3A_242, %broadcast_in_dim3A_245, %broadcast_in_dim3A_246 : vector<16xi1>, vector<16xi32>
        %sub3A_248 = arith.subi %add3A_239, %select_n3A_247 : vector<16xi32>
        %convert_element_type3A_249 = arith.sitofp %sub3A_248 : vector<16xi32> to vector<16xf32>
        %mul3A_250 = arith.constant 0.00595238106 : f32
        %mul3A_251 = vector.broadcast %mul3A_250 : f32 to vector<16xf32>
        %mul3A_252 = arith.mulf %convert_element_type3A_249, %mul3A_251 : vector<16xf32>
        %convert_element_type3A_253 = arith.fptosi %mul3A_252 : vector<16xf32> to vector<16xi32>
        %mul3A_254 = arith.constant 168 : i32
        %mul3A_255 = vector.broadcast %mul3A_254 : i32 to vector<16xi32>
        %mul3A_256 = arith.muli %convert_element_type3A_253, %mul3A_255 : vector<16xi32>
        %sub3A_257 = arith.subi %sub3A_248, %mul3A_256 : vector<16xi32>
        %ge3A_258 = arith.constant 168 : i32
        %ge3A_259 = vector.broadcast %ge3A_258 : i32 to vector<16xi32>
        %ge3A_260 = arith.cmpi sge, %sub3A_257, %ge3A_259 : vector<16xi32>
        %sub3A_261 = arith.constant 168 : i32
        %sub3A_262 = vector.broadcast %sub3A_261 : i32 to vector<16xi32>
        %sub3A_263 = arith.subi %sub3A_257, %sub3A_262 : vector<16xi32>
        %select_n3A_264 = arith.select %ge3A_260, %sub3A_263, %sub3A_257 : vector<16xi1>, vector<16xi32>
        %lt3A_265 = arith.constant 0 : i32
        %lt3A_266 = vector.broadcast %lt3A_265 : i32 to vector<16xi32>
        %lt3A_267 = arith.cmpi slt, %select_n3A_264, %lt3A_266 : vector<16xi32>
        %add3A_268 = arith.constant 168 : i32
        %add3A_269 = vector.broadcast %add3A_268 : i32 to vector<16xi32>
        %add3A_270 = arith.addi %select_n3A_264, %add3A_269 : vector<16xi32>
        %select_n3A_271 = arith.select %lt3A_267, %add3A_270, %select_n3A_264 : vector<16xi1>, vector<16xi32>
        %mul3A_272 = arith.constant 16 : i32
        %mul3A_273 = arith.muli %scan3A_218, %mul3A_272 : i32
        %swap3A = arith.constant 0 : i32
        %swap3A_274 = arith.index_cast %swap3A : i32 to index
        %swap3A_275 = arith.index_cast %mul3A_273 : i32 to index
        %swap3A_276 = tpu.vector_load %arg10[%swap3A_274, %swap3A_275] {strides = array<i32>} : memref<1x128xi32, #tpu.memory_space<vmem>>, vector<1x16xi32>,
        %swap3A_277 = vector.shape_cast %swap3A_276 : vector<1x16xi32> to vector<16xi32>
        %swap3A_278 = vector.shape_cast %select_n3A_271 : vector<16xi32> to vector<1x16xi32>
        tpu.vector_store %arg10[%swap3A_274, %swap3A_275], %swap3A_278 {strides = array<i32>} : memref<1x128xi32, #tpu.memory_space<vmem>>, vector<1x16xi32>,
        %scan3A_279 = arith.constant 0 : i32
        scf.yield %scan3A_279 : i32
      }
      %scan3A_109 = arith.constant 8 : i32
      %ge3A_110 = arith.constant 4 : i32
      %ge3A_111 = arith.cmpi sge, %add3A_97, %ge3A_110 : i32
      %convert_element_type3A_112 = arith.extui %ge3A_111 : i1 to i32
      %cond3A_113 = arith.constant 0 : i32
      %cond3A_114 = arith.cmpi ne, %convert_element_type3A_112, %cond3A_113 : i32
      scf.if %cond3A_114 {
        %sub3A = arith.constant 4 : i32
        %sub3A_218 = arith.subi %add3A_97, %sub3A : i32
        %mul3A_219 = arith.constant 128 : i32
        %mul3A_220 = arith.muli %sub3A_218, %mul3A_219 : i32
        %add3A_221 = arith.addi %mul3A_2, %mul3A_220 : i32
        %dma_wait3A_222 = arith.constant 0 : i32
        %dma_wait3A_223 = tpu.memref_slice %arg4[%add3A_221, %dma_wait3A_222] : memref<3276800x128xf32, #tpu.memory_space<hbm>> -> memref<128x128xf32, #tpu.memory_space<hbm>>
        %dma_wait3A_224 = arith.constant 0 : i32
        %dma_wait3A_225 = tpu.memref_slice %arg4[%add3A_221, %dma_wait3A_224] : memref<3276800x128xf32, #tpu.memory_space<hbm>> -> memref<128x128xf32, #tpu.memory_space<hbm>>
        tpu.wait_dma2 semaphore(%arg26 : memref<!tpu.dma_semaphore, #tpu.memory_space<semaphore_mem>>) src(%arg14 : memref<128x128xf32, #tpu.memory_space<vmem>>) dst(%dma_wait3A_225 : memref<128x128xf32, #tpu.memory_space<hbm>>)
      } else {
      }
      %dma_start3A_115 = arith.constant 0 : i32
      %dma_start3A_116 = arith.constant 0 : i32
      %dma_start3A_117 = arith.constant 0 : i32
      %dma_start3A_118 = tpu.memref_slice %arg14[%dma_start3A_116, %dma_start3A_117] : memref<128x128xf32, #tpu.memory_space<vmem>> -> memref<128x128xf32, #tpu.memory_space<vmem>>
      %dma_start3A_119 = arith.constant 0 : i32
      %dma_start3A_120 = tpu.memref_slice %arg10[%dma_start3A_115, %dma_start3A_119] : memref<1x128xi32, #tpu.memory_space<vmem>> -> memref<1x128xi32, #tpu.memory_space<vmem>>
      %dma_start3A_121 = tpu.memref_squeeze %dma_start3A_120 : memref<1x128xi32, #tpu.memory_space<vmem>> -> memref<128xi32, #tpu.memory_space<vmem>>
      %dma_start3A_122 = arith.constant 0 : i32
      %dma_start3A_123 = arith.constant 0 : i32
      %dma_start3A_124 = tpu.memref_slice %arg29[%dma_start3A_122, %dma_start3A_123] : memref<168x128xf32, #tpu.memory_space<vmem_shared>> -> memref<168x128xf32, #tpu.memory_space<vmem_shared>>
      tpu.enqueue_indirect_dma source(%dma_start3A_124 : memref<168x128xf32, #tpu.memory_space<vmem_shared>>) target(%dma_start3A_118 : memref<128x128xf32, #tpu.memory_space<vmem>>) offsets(%dma_start3A_121 : memref<128xi32, #tpu.memory_space<vmem>>) semaphore(%arg22 : memref<!tpu.dma_semaphore, #tpu.memory_space<semaphore_mem>>)
      %lt3A_125 = arith.constant 796 : i32
      %lt3A_126 = arith.cmpi slt, %add3A_97, %lt3A_125 : i32
      %convert_element_type3A_127 = arith.extui %lt3A_126 : i1 to i32
      %cond3A_128 = arith.constant 0 : i32
      %cond3A_129 = arith.cmpi ne, %convert_element_type3A_127, %cond3A_128 : i32
      scf.if %cond3A_129 {
        %add3A_218 = arith.constant 4 : i32
        %add3A_219 = arith.addi %add3A_97, %add3A_218 : i32
        %mul3A_220 = arith.constant 128 : i32
        %mul3A_221 = arith.muli %add3A_219, %mul3A_220 : i32
        %add3A_222 = arith.addi %mul3A_2, %mul3A_221 : i32
        %dma_start3A_223 = tpu.memref_slice %arg2[%add3A_222] : memref<3276800xi32, #tpu.memory_space<hbm>> -> memref<128xi32, #tpu.memory_space<hbm>>
        %dma_start3A_224 = tpu.memref_slice %arg2[%add3A_222] : memref<3276800xi32, #tpu.memory_space<hbm>> -> memref<128xi32, #tpu.memory_space<hbm>>
        tpu.enqueue_dma source(%dma_start3A_224 : memref<128xi32, #tpu.memory_space<hbm>>) target(%arg6 : memref<128xi32, #tpu.memory_space<vmem>>) target_semaphore(%arg18 : memref<!tpu.dma_semaphore, #tpu.memory_space<semaphore_mem>>)
      } else {
      }
      %ge3A_130 = arith.constant 1 : i32
      %ge3A_131 = arith.cmpi sge, %add3A_97, %ge3A_130 : i32
      %convert_element_type3A_132 = arith.extui %ge3A_131 : i1 to i32
      %cond3A_133 = arith.constant 0 : i32
      %cond3A_134 = arith.cmpi ne, %convert_element_type3A_132, %cond3A_133 : i32
      scf.if %cond3A_134 {
        %dma_wait3A_218 = arith.constant 0 : i32
        %dma_wait3A_219 = arith.constant 0 : i32
        %dma_wait3A_220 = arith.constant 0 : i32
        %dma_wait3A_221 = tpu.memref_slice %arg13[%dma_wait3A_219, %dma_wait3A_220] : memref<128x128xf32, #tpu.memory_space<vmem>> -> memref<128x128xf32, #tpu.memory_space<vmem>>
        %dma_wait3A_222 = arith.constant 0 : i32
        %dma_wait3A_223 = tpu.memref_slice %arg9[%dma_wait3A_218, %dma_wait3A_222] : memref<1x128xi32, #tpu.memory_space<vmem>> -> memref<1x128xi32, #tpu.memory_space<vmem>>
        %dma_wait3A_224 = tpu.memref_squeeze %dma_wait3A_223 : memref<1x128xi32, #tpu.memory_space<vmem>> -> memref<128xi32, #tpu.memory_space<vmem>>
        %dma_wait3A_225 = arith.constant 0 : i32
        %dma_wait3A_226 = arith.constant 0 : i32
        %dma_wait3A_227 = tpu.memref_slice %arg29[%dma_wait3A_225, %dma_wait3A_226] : memref<168x128xf32, #tpu.memory_space<vmem_shared>> -> memref<168x128xf32, #tpu.memory_space<vmem_shared>>
        tpu.wait_indirect_dma semaphore(%arg21 : memref<!tpu.dma_semaphore, #tpu.memory_space<semaphore_mem>>) src(%dma_wait3A_227 : memref<168x128xf32, #tpu.memory_space<vmem_shared>>) dst(%dma_wait3A_221 : memref<128x128xf32, #tpu.memory_space<vmem>>)
        %sub3A = arith.constant 1 : i32
        %sub3A_228 = arith.subi %add3A_97, %sub3A : i32
        %mul3A_229 = arith.constant 128 : i32
        %mul3A_230 = arith.muli %sub3A_228, %mul3A_229 : i32
        %add3A_231 = arith.addi %mul3A_2, %mul3A_230 : i32
        %dma_start3A_232 = arith.constant 0 : i32
        %dma_start3A_233 = tpu.memref_slice %arg4[%add3A_231, %dma_start3A_232] : memref<3276800x128xf32, #tpu.memory_space<hbm>> -> memref<128x128xf32, #tpu.memory_space<hbm>>
        %dma_start3A_234 = arith.constant 0 : i32
        %dma_start3A_235 = tpu.memref_slice %arg4[%add3A_231, %dma_start3A_234] : memref<3276800x128xf32, #tpu.memory_space<hbm>> -> memref<128x128xf32, #tpu.memory_space<hbm>>
        tpu.enqueue_dma source(%arg13 : memref<128x128xf32, #tpu.memory_space<vmem>>) target(%dma_start3A_235 : memref<128x128xf32, #tpu.memory_space<hbm>>) target_semaphore(%arg25 : memref<!tpu.dma_semaphore, #tpu.memory_space<semaphore_mem>>)
      } else {
      }
      %mul3A_135 = arith.constant 4 : i32
      %mul3A_136 = arith.muli %scan3A_53, %mul3A_135 : i32
      %add3A_137 = arith.constant 2 : i32
      %add3A_138 = arith.addi %mul3A_136, %add3A_137 : i32
      %mul3A_139 = arith.constant 128 : i32
      %mul3A_140 = arith.muli %add3A_138, %mul3A_139 : i32
      %add3A_141 = arith.addi %mul3A_2, %mul3A_140 : i32
      %dma_wait3A_142 = tpu.memref_slice %arg2[%add3A_141] : memref<3276800xi32, #tpu.memory_space<hbm>> -> memref<128xi32, #tpu.memory_space<hbm>>
      %dma_wait3A_143 = tpu.memref_slice %arg2[%add3A_141] : memref<3276800xi32, #tpu.memory_space<hbm>> -> memref<128xi32, #tpu.memory_space<hbm>>
      tpu.wait_dma2 semaphore(%arg19 : memref<!tpu.dma_semaphore, #tpu.memory_space<semaphore_mem>>) src(%dma_wait3A_143 : memref<128xi32, #tpu.memory_space<hbm>>) dst(%arg7 : memref<128xi32, #tpu.memory_space<vmem>>)
      %scan3A_144 = arith.constant 0 : i32
      %scan3A_145 = arith.constant 0 : i32
      %scan3A_146 = arith.constant 8 : i32
      %scan3A_147 = arith.addi %scan3A_145, %scan3A_146 : i32
      %scan3A_148 = arith.constant 1 : i32
      %scan3A_149 = scf.for %scan3A_218 = %scan3A_145 to %scan3A_147 step %scan3A_148 iter_args(%scan3A_219 = %scan3A_144) -> (i32)  : i32 {
        %mul3A_220 = arith.constant 16 : i32
        %mul3A_221 = arith.muli %scan3A_218, %mul3A_220 : i32
        %add3A_222 = arith.constant 0 : i32
        %add3A_223 = arith.addi %add3A_222, %mul3A_221 : i32
        %get3A = arith.index_cast %add3A_223 : i32 to index
        %get3A_224 = tpu.vector_load %arg7[%get3A] {strides = array<i32>} : memref<128xi32, #tpu.memory_space<vmem>>, vector<16xi32>,
        %get3A_225 = vector.shape_cast %get3A_224 : vector<16xi32> to vector<16xi32>
        %convert_element_type3A_226 = arith.sitofp %get3A_225 : vector<16xi32> to vector<16xf32>
        %mul3A_227 = arith.constant 2.77777785E-4 : f32
        %mul3A_228 = vector.broadcast %mul3A_227 : f32 to vector<16xf32>
        %mul3A_229 = arith.mulf %convert_element_type3A_226, %mul3A_228 : vector<16xf32>
        %convert_element_type3A_230 = arith.fptosi %mul3A_229 : vector<16xf32> to vector<16xi32>
        %mul3A_231 = arith.constant 3600 : i32
        %mul3A_232 = vector.broadcast %mul3A_231 : i32 to vector<16xi32>
        %mul3A_233 = arith.muli %convert_element_type3A_230, %mul3A_232 : vector<16xi32>
        %sub3A = arith.subi %get3A_225, %mul3A_233 : vector<16xi32>
        %ge3A_234 = arith.constant 3600 : i32
        %ge3A_235 = vector.broadcast %ge3A_234 : i32 to vector<16xi32>
        %ge3A_236 = arith.cmpi sge, %sub3A, %ge3A_235 : vector<16xi32>
        %jit3A = arith.constant 1 : i32
        %jit3A_237 = arith.constant 0 : i32
        %broadcast_in_dim3A = vector.broadcast %jit3A : i32 to vector<16xi32>
        %broadcast_in_dim3A_238 = vector.broadcast %jit3A_237 : i32 to vector<16xi32>
        %select_n3A = arith.select %ge3A_236, %broadcast_in_dim3A, %broadcast_in_dim3A_238 : vector<16xi1>, vector<16xi32>
        %add3A_239 = arith.addi %convert_element_type3A_230, %select_n3A : vector<16xi32>
        %lt3A_240 = arith.constant 0 : i32
        %lt3A_241 = vector.broadcast %lt3A_240 : i32 to vector<16xi32>
        %lt3A_242 = arith.cmpi slt, %sub3A, %lt3A_241 : vector<16xi32>
        %jit3A_243 = arith.constant 1 : i32
        %jit3A_244 = arith.constant 0 : i32
        %broadcast_in_dim3A_245 = vector.broadcast %jit3A_243 : i32 to vector<16xi32>
        %broadcast_in_dim3A_246 = vector.broadcast %jit3A_244 : i32 to vector<16xi32>
        %select_n3A_247 = arith.select %lt3A_242, %broadcast_in_dim3A_245, %broadcast_in_dim3A_246 : vector<16xi1>, vector<16xi32>
        %sub3A_248 = arith.subi %add3A_239, %select_n3A_247 : vector<16xi32>
        %convert_element_type3A_249 = arith.sitofp %sub3A_248 : vector<16xi32> to vector<16xf32>
        %mul3A_250 = arith.constant 0.00595238106 : f32
        %mul3A_251 = vector.broadcast %mul3A_250 : f32 to vector<16xf32>
        %mul3A_252 = arith.mulf %convert_element_type3A_249, %mul3A_251 : vector<16xf32>
        %convert_element_type3A_253 = arith.fptosi %mul3A_252 : vector<16xf32> to vector<16xi32>
        %mul3A_254 = arith.constant 168 : i32
        %mul3A_255 = vector.broadcast %mul3A_254 : i32 to vector<16xi32>
        %mul3A_256 = arith.muli %convert_element_type3A_253, %mul3A_255 : vector<16xi32>
        %sub3A_257 = arith.subi %sub3A_248, %mul3A_256 : vector<16xi32>
        %ge3A_258 = arith.constant 168 : i32
        %ge3A_259 = vector.broadcast %ge3A_258 : i32 to vector<16xi32>
        %ge3A_260 = arith.cmpi sge, %sub3A_257, %ge3A_259 : vector<16xi32>
        %sub3A_261 = arith.constant 168 : i32
        %sub3A_262 = vector.broadcast %sub3A_261 : i32 to vector<16xi32>
        %sub3A_263 = arith.subi %sub3A_257, %sub3A_262 : vector<16xi32>
        %select_n3A_264 = arith.select %ge3A_260, %sub3A_263, %sub3A_257 : vector<16xi1>, vector<16xi32>
        %lt3A_265 = arith.constant 0 : i32
        %lt3A_266 = vector.broadcast %lt3A_265 : i32 to vector<16xi32>
        %lt3A_267 = arith.cmpi slt, %select_n3A_264, %lt3A_266 : vector<16xi32>
        %add3A_268 = arith.constant 168 : i32
        %add3A_269 = vector.broadcast %add3A_268 : i32 to vector<16xi32>
        %add3A_270 = arith.addi %select_n3A_264, %add3A_269 : vector<16xi32>
        %select_n3A_271 = arith.select %lt3A_267, %add3A_270, %select_n3A_264 : vector<16xi1>, vector<16xi32>
        %mul3A_272 = arith.constant 16 : i32
        %mul3A_273 = arith.muli %scan3A_218, %mul3A_272 : i32
        %swap3A = arith.constant 0 : i32
        %swap3A_274 = arith.index_cast %swap3A : i32 to index
        %swap3A_275 = arith.index_cast %mul3A_273 : i32 to index
        %swap3A_276 = tpu.vector_load %arg11[%swap3A_274, %swap3A_275] {strides = array<i32>} : memref<1x128xi32, #tpu.memory_space<vmem>>, vector<1x16xi32>,
        %swap3A_277 = vector.shape_cast %swap3A_276 : vector<1x16xi32> to vector<16xi32>
        %swap3A_278 = vector.shape_cast %select_n3A_271 : vector<16xi32> to vector<1x16xi32>
        tpu.vector_store %arg11[%swap3A_274, %swap3A_275], %swap3A_278 {strides = array<i32>} : memref<1x128xi32, #tpu.memory_space<vmem>>, vector<1x16xi32>,
        %scan3A_279 = arith.constant 0 : i32
        scf.yield %scan3A_279 : i32
      }
      %scan3A_150 = arith.constant 8 : i32
      %ge3A_151 = arith.constant 4 : i32
      %ge3A_152 = arith.cmpi sge, %add3A_138, %ge3A_151 : i32
      %convert_element_type3A_153 = arith.extui %ge3A_152 : i1 to i32
      %cond3A_154 = arith.constant 0 : i32
      %cond3A_155 = arith.cmpi ne, %convert_element_type3A_153, %cond3A_154 : i32
      scf.if %cond3A_155 {
        %sub3A = arith.constant 4 : i32
        %sub3A_218 = arith.subi %add3A_138, %sub3A : i32
        %mul3A_219 = arith.constant 128 : i32
        %mul3A_220 = arith.muli %sub3A_218, %mul3A_219 : i32
        %add3A_221 = arith.addi %mul3A_2, %mul3A_220 : i32
        %dma_wait3A_222 = arith.constant 0 : i32
        %dma_wait3A_223 = tpu.memref_slice %arg4[%add3A_221, %dma_wait3A_222] : memref<3276800x128xf32, #tpu.memory_space<hbm>> -> memref<128x128xf32, #tpu.memory_space<hbm>>
        %dma_wait3A_224 = arith.constant 0 : i32
        %dma_wait3A_225 = tpu.memref_slice %arg4[%add3A_221, %dma_wait3A_224] : memref<3276800x128xf32, #tpu.memory_space<hbm>> -> memref<128x128xf32, #tpu.memory_space<hbm>>
        tpu.wait_dma2 semaphore(%arg27 : memref<!tpu.dma_semaphore, #tpu.memory_space<semaphore_mem>>) src(%arg15 : memref<128x128xf32, #tpu.memory_space<vmem>>) dst(%dma_wait3A_225 : memref<128x128xf32, #tpu.memory_space<hbm>>)
      } else {
      }
      %dma_start3A_156 = arith.constant 0 : i32
      %dma_start3A_157 = arith.constant 0 : i32
      %dma_start3A_158 = arith.constant 0 : i32
      %dma_start3A_159 = tpu.memref_slice %arg15[%dma_start3A_157, %dma_start3A_158] : memref<128x128xf32, #tpu.memory_space<vmem>> -> memref<128x128xf32, #tpu.memory_space<vmem>>
      %dma_start3A_160 = arith.constant 0 : i32
      %dma_start3A_161 = tpu.memref_slice %arg11[%dma_start3A_156, %dma_start3A_160] : memref<1x128xi32, #tpu.memory_space<vmem>> -> memref<1x128xi32, #tpu.memory_space<vmem>>
      %dma_start3A_162 = tpu.memref_squeeze %dma_start3A_161 : memref<1x128xi32, #tpu.memory_space<vmem>> -> memref<128xi32, #tpu.memory_space<vmem>>
      %dma_start3A_163 = arith.constant 0 : i32
      %dma_start3A_164 = arith.constant 0 : i32
      %dma_start3A_165 = tpu.memref_slice %arg29[%dma_start3A_163, %dma_start3A_164] : memref<168x128xf32, #tpu.memory_space<vmem_shared>> -> memref<168x128xf32, #tpu.memory_space<vmem_shared>>
      tpu.enqueue_indirect_dma source(%dma_start3A_165 : memref<168x128xf32, #tpu.memory_space<vmem_shared>>) target(%dma_start3A_159 : memref<128x128xf32, #tpu.memory_space<vmem>>) offsets(%dma_start3A_162 : memref<128xi32, #tpu.memory_space<vmem>>) semaphore(%arg23 : memref<!tpu.dma_semaphore, #tpu.memory_space<semaphore_mem>>)
      %lt3A_166 = arith.constant 796 : i32
      %lt3A_167 = arith.cmpi slt, %add3A_138, %lt3A_166 : i32
      %convert_element_type3A_168 = arith.extui %lt3A_167 : i1 to i32
      %cond3A_169 = arith.constant 0 : i32
      %cond3A_170 = arith.cmpi ne, %convert_element_type3A_168, %cond3A_169 : i32
      scf.if %cond3A_170 {
        %add3A_218 = arith.constant 4 : i32
        %add3A_219 = arith.addi %add3A_138, %add3A_218 : i32
        %mul3A_220 = arith.constant 128 : i32
        %mul3A_221 = arith.muli %add3A_219, %mul3A_220 : i32
        %add3A_222 = arith.addi %mul3A_2, %mul3A_221 : i32
        %dma_start3A_223 = tpu.memref_slice %arg2[%add3A_222] : memref<3276800xi32, #tpu.memory_space<hbm>> -> memref<128xi32, #tpu.memory_space<hbm>>
        %dma_start3A_224 = tpu.memref_slice %arg2[%add3A_222] : memref<3276800xi32, #tpu.memory_space<hbm>> -> memref<128xi32, #tpu.memory_space<hbm>>
        tpu.enqueue_dma source(%dma_start3A_224 : memref<128xi32, #tpu.memory_space<hbm>>) target(%arg7 : memref<128xi32, #tpu.memory_space<vmem>>) target_semaphore(%arg19 : memref<!tpu.dma_semaphore, #tpu.memory_space<semaphore_mem>>)
      } else {
      }
      %ge3A_171 = arith.constant 1 : i32
      %ge3A_172 = arith.cmpi sge, %add3A_138, %ge3A_171 : i32
      %convert_element_type3A_173 = arith.extui %ge3A_172 : i1 to i32
      %cond3A_174 = arith.constant 0 : i32
      %cond3A_175 = arith.cmpi ne, %convert_element_type3A_173, %cond3A_174 : i32
      scf.if %cond3A_175 {
        %dma_wait3A_218 = arith.constant 0 : i32
        %dma_wait3A_219 = arith.constant 0 : i32
        %dma_wait3A_220 = arith.constant 0 : i32
        %dma_wait3A_221 = tpu.memref_slice %arg14[%dma_wait3A_219, %dma_wait3A_220] : memref<128x128xf32, #tpu.memory_space<vmem>> -> memref<128x128xf32, #tpu.memory_space<vmem>>
        %dma_wait3A_222 = arith.constant 0 : i32
        %dma_wait3A_223 = tpu.memref_slice %arg10[%dma_wait3A_218, %dma_wait3A_222] : memref<1x128xi32, #tpu.memory_space<vmem>> -> memref<1x128xi32, #tpu.memory_space<vmem>>
        %dma_wait3A_224 = tpu.memref_squeeze %dma_wait3A_223 : memref<1x128xi32, #tpu.memory_space<vmem>> -> memref<128xi32, #tpu.memory_space<vmem>>
        %dma_wait3A_225 = arith.constant 0 : i32
        %dma_wait3A_226 = arith.constant 0 : i32
        %dma_wait3A_227 = tpu.memref_slice %arg29[%dma_wait3A_225, %dma_wait3A_226] : memref<168x128xf32, #tpu.memory_space<vmem_shared>> -> memref<168x128xf32, #tpu.memory_space<vmem_shared>>
        tpu.wait_indirect_dma semaphore(%arg22 : memref<!tpu.dma_semaphore, #tpu.memory_space<semaphore_mem>>) src(%dma_wait3A_227 : memref<168x128xf32, #tpu.memory_space<vmem_shared>>) dst(%dma_wait3A_221 : memref<128x128xf32, #tpu.memory_space<vmem>>)
        %sub3A = arith.constant 1 : i32
        %sub3A_228 = arith.subi %add3A_138, %sub3A : i32
        %mul3A_229 = arith.constant 128 : i32
        %mul3A_230 = arith.muli %sub3A_228, %mul3A_229 : i32
        %add3A_231 = arith.addi %mul3A_2, %mul3A_230 : i32
        %dma_start3A_232 = arith.constant 0 : i32
        %dma_start3A_233 = tpu.memref_slice %arg4[%add3A_231, %dma_start3A_232] : memref<3276800x128xf32, #tpu.memory_space<hbm>> -> memref<128x128xf32, #tpu.memory_space<hbm>>
        %dma_start3A_234 = arith.constant 0 : i32
        %dma_start3A_235 = tpu.memref_slice %arg4[%add3A_231, %dma_start3A_234] : memref<3276800x128xf32, #tpu.memory_space<hbm>> -> memref<128x128xf32, #tpu.memory_space<hbm>>
        tpu.enqueue_dma source(%arg14 : memref<128x128xf32, #tpu.memory_space<vmem>>) target(%dma_start3A_235 : memref<128x128xf32, #tpu.memory_space<hbm>>) target_semaphore(%arg26 : memref<!tpu.dma_semaphore, #tpu.memory_space<semaphore_mem>>)
      } else {
      }
      %mul3A_176 = arith.constant 4 : i32
      %mul3A_177 = arith.muli %scan3A_53, %mul3A_176 : i32
      %add3A_178 = arith.constant 3 : i32
      %add3A_179 = arith.addi %mul3A_177, %add3A_178 : i32
      %mul3A_180 = arith.constant 128 : i32
      %mul3A_181 = arith.muli %add3A_179, %mul3A_180 : i32
      %add3A_182 = arith.addi %mul3A_2, %mul3A_181 : i32
      %dma_wait3A_183 = tpu.memref_slice %arg2[%add3A_182] : memref<3276800xi32, #tpu.memory_space<hbm>> -> memref<128xi32, #tpu.memory_space<hbm>>
      %dma_wait3A_184 = tpu.memref_slice %arg2[%add3A_182] : memref<3276800xi32, #tpu.memory_space<hbm>> -> memref<128xi32, #tpu.memory_space<hbm>>
      tpu.wait_dma2 semaphore(%arg20 : memref<!tpu.dma_semaphore, #tpu.memory_space<semaphore_mem>>) src(%dma_wait3A_184 : memref<128xi32, #tpu.memory_space<hbm>>) dst(%arg8 : memref<128xi32, #tpu.memory_space<vmem>>)
      %scan3A_185 = arith.constant 0 : i32
      %scan3A_186 = arith.constant 0 : i32
      %scan3A_187 = arith.constant 8 : i32
      %scan3A_188 = arith.addi %scan3A_186, %scan3A_187 : i32
      %scan3A_189 = arith.constant 1 : i32
      %scan3A_190 = scf.for %scan3A_218 = %scan3A_186 to %scan3A_188 step %scan3A_189 iter_args(%scan3A_219 = %scan3A_185) -> (i32)  : i32 {
        %mul3A_220 = arith.constant 16 : i32
        %mul3A_221 = arith.muli %scan3A_218, %mul3A_220 : i32
        %add3A_222 = arith.constant 0 : i32
        %add3A_223 = arith.addi %add3A_222, %mul3A_221 : i32
        %get3A = arith.index_cast %add3A_223 : i32 to index
        %get3A_224 = tpu.vector_load %arg8[%get3A] {strides = array<i32>} : memref<128xi32, #tpu.memory_space<vmem>>, vector<16xi32>,
        %get3A_225 = vector.shape_cast %get3A_224 : vector<16xi32> to vector<16xi32>
        %convert_element_type3A_226 = arith.sitofp %get3A_225 : vector<16xi32> to vector<16xf32>
        %mul3A_227 = arith.constant 2.77777785E-4 : f32
        %mul3A_228 = vector.broadcast %mul3A_227 : f32 to vector<16xf32>
        %mul3A_229 = arith.mulf %convert_element_type3A_226, %mul3A_228 : vector<16xf32>
        %convert_element_type3A_230 = arith.fptosi %mul3A_229 : vector<16xf32> to vector<16xi32>
        %mul3A_231 = arith.constant 3600 : i32
        %mul3A_232 = vector.broadcast %mul3A_231 : i32 to vector<16xi32>
        %mul3A_233 = arith.muli %convert_element_type3A_230, %mul3A_232 : vector<16xi32>
        %sub3A = arith.subi %get3A_225, %mul3A_233 : vector<16xi32>
        %ge3A_234 = arith.constant 3600 : i32
        %ge3A_235 = vector.broadcast %ge3A_234 : i32 to vector<16xi32>
        %ge3A_236 = arith.cmpi sge, %sub3A, %ge3A_235 : vector<16xi32>
        %jit3A = arith.constant 1 : i32
        %jit3A_237 = arith.constant 0 : i32
        %broadcast_in_dim3A = vector.broadcast %jit3A : i32 to vector<16xi32>
        %broadcast_in_dim3A_238 = vector.broadcast %jit3A_237 : i32 to vector<16xi32>
        %select_n3A = arith.select %ge3A_236, %broadcast_in_dim3A, %broadcast_in_dim3A_238 : vector<16xi1>, vector<16xi32>
        %add3A_239 = arith.addi %convert_element_type3A_230, %select_n3A : vector<16xi32>
        %lt3A_240 = arith.constant 0 : i32
        %lt3A_241 = vector.broadcast %lt3A_240 : i32 to vector<16xi32>
        %lt3A_242 = arith.cmpi slt, %sub3A, %lt3A_241 : vector<16xi32>
        %jit3A_243 = arith.constant 1 : i32
        %jit3A_244 = arith.constant 0 : i32
        %broadcast_in_dim3A_245 = vector.broadcast %jit3A_243 : i32 to vector<16xi32>
        %broadcast_in_dim3A_246 = vector.broadcast %jit3A_244 : i32 to vector<16xi32>
        %select_n3A_247 = arith.select %lt3A_242, %broadcast_in_dim3A_245, %broadcast_in_dim3A_246 : vector<16xi1>, vector<16xi32>
        %sub3A_248 = arith.subi %add3A_239, %select_n3A_247 : vector<16xi32>
        %convert_element_type3A_249 = arith.sitofp %sub3A_248 : vector<16xi32> to vector<16xf32>
        %mul3A_250 = arith.constant 0.00595238106 : f32
        %mul3A_251 = vector.broadcast %mul3A_250 : f32 to vector<16xf32>
        %mul3A_252 = arith.mulf %convert_element_type3A_249, %mul3A_251 : vector<16xf32>
        %convert_element_type3A_253 = arith.fptosi %mul3A_252 : vector<16xf32> to vector<16xi32>
        %mul3A_254 = arith.constant 168 : i32
        %mul3A_255 = vector.broadcast %mul3A_254 : i32 to vector<16xi32>
        %mul3A_256 = arith.muli %convert_element_type3A_253, %mul3A_255 : vector<16xi32>
        %sub3A_257 = arith.subi %sub3A_248, %mul3A_256 : vector<16xi32>
        %ge3A_258 = arith.constant 168 : i32
        %ge3A_259 = vector.broadcast %ge3A_258 : i32 to vector<16xi32>
        %ge3A_260 = arith.cmpi sge, %sub3A_257, %ge3A_259 : vector<16xi32>
        %sub3A_261 = arith.constant 168 : i32
        %sub3A_262 = vector.broadcast %sub3A_261 : i32 to vector<16xi32>
        %sub3A_263 = arith.subi %sub3A_257, %sub3A_262 : vector<16xi32>
        %select_n3A_264 = arith.select %ge3A_260, %sub3A_263, %sub3A_257 : vector<16xi1>, vector<16xi32>
        %lt3A_265 = arith.constant 0 : i32
        %lt3A_266 = vector.broadcast %lt3A_265 : i32 to vector<16xi32>
        %lt3A_267 = arith.cmpi slt, %select_n3A_264, %lt3A_266 : vector<16xi32>
        %add3A_268 = arith.constant 168 : i32
        %add3A_269 = vector.broadcast %add3A_268 : i32 to vector<16xi32>
        %add3A_270 = arith.addi %select_n3A_264, %add3A_269 : vector<16xi32>
        %select_n3A_271 = arith.select %lt3A_267, %add3A_270, %select_n3A_264 : vector<16xi1>, vector<16xi32>
        %mul3A_272 = arith.constant 16 : i32
        %mul3A_273 = arith.muli %scan3A_218, %mul3A_272 : i32
        %swap3A = arith.constant 0 : i32
        %swap3A_274 = arith.index_cast %swap3A : i32 to index
        %swap3A_275 = arith.index_cast %mul3A_273 : i32 to index
        %swap3A_276 = tpu.vector_load %arg12[%swap3A_274, %swap3A_275] {strides = array<i32>} : memref<1x128xi32, #tpu.memory_space<vmem>>, vector<1x16xi32>,
        %swap3A_277 = vector.shape_cast %swap3A_276 : vector<1x16xi32> to vector<16xi32>
        %swap3A_278 = vector.shape_cast %select_n3A_271 : vector<16xi32> to vector<1x16xi32>
        tpu.vector_store %arg12[%swap3A_274, %swap3A_275], %swap3A_278 {strides = array<i32>} : memref<1x128xi32, #tpu.memory_space<vmem>>, vector<1x16xi32>,
        %scan3A_279 = arith.constant 0 : i32
        scf.yield %scan3A_279 : i32
      }
      %scan3A_191 = arith.constant 8 : i32
      %ge3A_192 = arith.constant 4 : i32
      %ge3A_193 = arith.cmpi sge, %add3A_179, %ge3A_192 : i32
      %convert_element_type3A_194 = arith.extui %ge3A_193 : i1 to i32
      %cond3A_195 = arith.constant 0 : i32
      %cond3A_196 = arith.cmpi ne, %convert_element_type3A_194, %cond3A_195 : i32
      scf.if %cond3A_196 {
        %sub3A = arith.constant 4 : i32
        %sub3A_218 = arith.subi %add3A_179, %sub3A : i32
        %mul3A_219 = arith.constant 128 : i32
        %mul3A_220 = arith.muli %sub3A_218, %mul3A_219 : i32
        %add3A_221 = arith.addi %mul3A_2, %mul3A_220 : i32
        %dma_wait3A_222 = arith.constant 0 : i32
        %dma_wait3A_223 = tpu.memref_slice %arg4[%add3A_221, %dma_wait3A_222] : memref<3276800x128xf32, #tpu.memory_space<hbm>> -> memref<128x128xf32, #tpu.memory_space<hbm>>
        %dma_wait3A_224 = arith.constant 0 : i32
        %dma_wait3A_225 = tpu.memref_slice %arg4[%add3A_221, %dma_wait3A_224] : memref<3276800x128xf32, #tpu.memory_space<hbm>> -> memref<128x128xf32, #tpu.memory_space<hbm>>
        tpu.wait_dma2 semaphore(%arg28 : memref<!tpu.dma_semaphore, #tpu.memory_space<semaphore_mem>>) src(%arg16 : memref<128x128xf32, #tpu.memory_space<vmem>>) dst(%dma_wait3A_225 : memref<128x128xf32, #tpu.memory_space<hbm>>)
      } else {
      }
      %dma_start3A_197 = arith.constant 0 : i32
      %dma_start3A_198 = arith.constant 0 : i32
      %dma_start3A_199 = arith.constant 0 : i32
      %dma_start3A_200 = tpu.memref_slice %arg16[%dma_start3A_198, %dma_start3A_199] : memref<128x128xf32, #tpu.memory_space<vmem>> -> memref<128x128xf32, #tpu.memory_space<vmem>>
      %dma_start3A_201 = arith.constant 0 : i32
      %dma_start3A_202 = tpu.memref_slice %arg12[%dma_start3A_197, %dma_start3A_201] : memref<1x128xi32, #tpu.memory_space<vmem>> -> memref<1x128xi32, #tpu.memory_space<vmem>>
      %dma_start3A_203 = tpu.memref_squeeze %dma_start3A_202 : memref<1x128xi32, #tpu.memory_space<vmem>> -> memref<128xi32, #tpu.memory_space<vmem>>
      %dma_start3A_204 = arith.constant 0 : i32
      %dma_start3A_205 = arith.constant 0 : i32
      %dma_start3A_206 = tpu.memref_slice %arg29[%dma_start3A_204, %dma_start3A_205] : memref<168x128xf32, #tpu.memory_space<vmem_shared>> -> memref<168x128xf32, #tpu.memory_space<vmem_shared>>
      tpu.enqueue_indirect_dma source(%dma_start3A_206 : memref<168x128xf32, #tpu.memory_space<vmem_shared>>) target(%dma_start3A_200 : memref<128x128xf32, #tpu.memory_space<vmem>>) offsets(%dma_start3A_203 : memref<128xi32, #tpu.memory_space<vmem>>) semaphore(%arg24 : memref<!tpu.dma_semaphore, #tpu.memory_space<semaphore_mem>>)
      %lt3A_207 = arith.constant 796 : i32
      %lt3A_208 = arith.cmpi slt, %add3A_179, %lt3A_207 : i32
      %convert_element_type3A_209 = arith.extui %lt3A_208 : i1 to i32
      %cond3A_210 = arith.constant 0 : i32
      %cond3A_211 = arith.cmpi ne, %convert_element_type3A_209, %cond3A_210 : i32
      scf.if %cond3A_211 {
        %add3A_218 = arith.constant 4 : i32
        %add3A_219 = arith.addi %add3A_179, %add3A_218 : i32
        %mul3A_220 = arith.constant 128 : i32
        %mul3A_221 = arith.muli %add3A_219, %mul3A_220 : i32
        %add3A_222 = arith.addi %mul3A_2, %mul3A_221 : i32
        %dma_start3A_223 = tpu.memref_slice %arg2[%add3A_222] : memref<3276800xi32, #tpu.memory_space<hbm>> -> memref<128xi32, #tpu.memory_space<hbm>>
        %dma_start3A_224 = tpu.memref_slice %arg2[%add3A_222] : memref<3276800xi32, #tpu.memory_space<hbm>> -> memref<128xi32, #tpu.memory_space<hbm>>
        tpu.enqueue_dma source(%dma_start3A_224 : memref<128xi32, #tpu.memory_space<hbm>>) target(%arg8 : memref<128xi32, #tpu.memory_space<vmem>>) target_semaphore(%arg20 : memref<!tpu.dma_semaphore, #tpu.memory_space<semaphore_mem>>)
      } else {
      }
      %ge3A_212 = arith.constant 1 : i32
      %ge3A_213 = arith.cmpi sge, %add3A_179, %ge3A_212 : i32
      %convert_element_type3A_214 = arith.extui %ge3A_213 : i1 to i32
      %cond3A_215 = arith.constant 0 : i32
      %cond3A_216 = arith.cmpi ne, %convert_element_type3A_214, %cond3A_215 : i32
      scf.if %cond3A_216 {
        %dma_wait3A_218 = arith.constant 0 : i32
        %dma_wait3A_219 = arith.constant 0 : i32
        %dma_wait3A_220 = arith.constant 0 : i32
        %dma_wait3A_221 = tpu.memref_slice %arg15[%dma_wait3A_219, %dma_wait3A_220] : memref<128x128xf32, #tpu.memory_space<vmem>> -> memref<128x128xf32, #tpu.memory_space<vmem>>
        %dma_wait3A_222 = arith.constant 0 : i32
        %dma_wait3A_223 = tpu.memref_slice %arg11[%dma_wait3A_218, %dma_wait3A_222] : memref<1x128xi32, #tpu.memory_space<vmem>> -> memref<1x128xi32, #tpu.memory_space<vmem>>
        %dma_wait3A_224 = tpu.memref_squeeze %dma_wait3A_223 : memref<1x128xi32, #tpu.memory_space<vmem>> -> memref<128xi32, #tpu.memory_space<vmem>>
        %dma_wait3A_225 = arith.constant 0 : i32
        %dma_wait3A_226 = arith.constant 0 : i32
        %dma_wait3A_227 = tpu.memref_slice %arg29[%dma_wait3A_225, %dma_wait3A_226] : memref<168x128xf32, #tpu.memory_space<vmem_shared>> -> memref<168x128xf32, #tpu.memory_space<vmem_shared>>
        tpu.wait_indirect_dma semaphore(%arg23 : memref<!tpu.dma_semaphore, #tpu.memory_space<semaphore_mem>>) src(%dma_wait3A_227 : memref<168x128xf32, #tpu.memory_space<vmem_shared>>) dst(%dma_wait3A_221 : memref<128x128xf32, #tpu.memory_space<vmem>>)
        %sub3A = arith.constant 1 : i32
        %sub3A_228 = arith.subi %add3A_179, %sub3A : i32
        %mul3A_229 = arith.constant 128 : i32
        %mul3A_230 = arith.muli %sub3A_228, %mul3A_229 : i32
        %add3A_231 = arith.addi %mul3A_2, %mul3A_230 : i32
        %dma_start3A_232 = arith.constant 0 : i32
        %dma_start3A_233 = tpu.memref_slice %arg4[%add3A_231, %dma_start3A_232] : memref<3276800x128xf32, #tpu.memory_space<hbm>> -> memref<128x128xf32, #tpu.memory_space<hbm>>
        %dma_start3A_234 = arith.constant 0 : i32
        %dma_start3A_235 = tpu.memref_slice %arg4[%add3A_231, %dma_start3A_234] : memref<3276800x128xf32, #tpu.memory_space<hbm>> -> memref<128x128xf32, #tpu.memory_space<hbm>>
        tpu.enqueue_dma source(%arg15 : memref<128x128xf32, #tpu.memory_space<vmem>>) target(%dma_start3A_235 : memref<128x128xf32, #tpu.memory_space<hbm>>) target_semaphore(%arg27 : memref<!tpu.dma_semaphore, #tpu.memory_space<semaphore_mem>>)
      } else {
      }
      %scan3A_217 = arith.constant 0 : i32
      scf.yield %scan3A_217 : i32
    }
    %scan3A_25 = arith.constant 200 : i32
    %dma_wait3A = arith.constant 0 : i32
    %dma_wait3A_26 = arith.constant 0 : i32
    %dma_wait3A_27 = arith.constant 0 : i32
    %dma_wait3A_28 = tpu.memref_slice %arg16[%dma_wait3A_26, %dma_wait3A_27] : memref<128x128xf32, #tpu.memory_space<vmem>> -> memref<128x128xf32, #tpu.memory_space<vmem>>
    %dma_wait3A_29 = arith.constant 0 : i32
    %dma_wait3A_30 = tpu.memref_slice %arg12[%dma_wait3A, %dma_wait3A_29] : memref<1x128xi32, #tpu.memory_space<vmem>> -> memref<1x128xi32, #tpu.memory_space<vmem>>
    %dma_wait3A_31 = tpu.memref_squeeze %dma_wait3A_30 : memref<1x128xi32, #tpu.memory_space<vmem>> -> memref<128xi32, #tpu.memory_space<vmem>>
    %dma_wait3A_32 = arith.constant 0 : i32
    %dma_wait3A_33 = arith.constant 0 : i32
    %dma_wait3A_34 = tpu.memref_slice %arg29[%dma_wait3A_32, %dma_wait3A_33] : memref<168x128xf32, #tpu.memory_space<vmem_shared>> -> memref<168x128xf32, #tpu.memory_space<vmem_shared>>
    tpu.wait_indirect_dma semaphore(%arg24 : memref<!tpu.dma_semaphore, #tpu.memory_space<semaphore_mem>>) src(%dma_wait3A_34 : memref<168x128xf32, #tpu.memory_space<vmem_shared>>) dst(%dma_wait3A_28 : memref<128x128xf32, #tpu.memory_space<vmem>>)
    %add3A_35 = arith.constant 102272 : i32
    %add3A_36 = arith.addi %mul3A_2, %add3A_35 : i32
    %dma_start3A_37 = arith.constant 0 : i32
    %dma_start3A_38 = tpu.memref_slice %arg4[%add3A_36, %dma_start3A_37] : memref<3276800x128xf32, #tpu.memory_space<hbm>> -> memref<128x128xf32, #tpu.memory_space<hbm>>
    %dma_start3A_39 = arith.constant 0 : i32
    %dma_start3A_40 = tpu.memref_slice %arg4[%add3A_36, %dma_start3A_39] : memref<3276800x128xf32, #tpu.memory_space<hbm>> -> memref<128x128xf32, #tpu.memory_space<hbm>>
    tpu.enqueue_dma source(%arg16 : memref<128x128xf32, #tpu.memory_space<vmem>>) target(%dma_start3A_40 : memref<128x128xf32, #tpu.memory_space<hbm>>) target_semaphore(%arg28 : memref<!tpu.dma_semaphore, #tpu.memory_space<semaphore_mem>>)
    %add3A_41 = arith.constant 101888 : i32
    %add3A_42 = arith.addi %mul3A_2, %add3A_41 : i32
    %dma_wait3A_43 = arith.constant 0 : i32
    %dma_wait3A_44 = tpu.memref_slice %arg4[%add3A_42, %dma_wait3A_43] : memref<3276800x128xf32, #tpu.memory_space<hbm>> -> memref<128x128xf32, #tpu.memory_space<hbm>>
    %dma_wait3A_45 = arith.constant 0 : i32
    %dma_wait3A_46 = tpu.memref_slice %arg4[%add3A_42, %dma_wait3A_45] : memref<3276800x128xf32, #tpu.memory_space<hbm>> -> memref<128x128xf32, #tpu.memory_space<hbm>>
    tpu.wait_dma2 semaphore(%arg25 : memref<!tpu.dma_semaphore, #tpu.memory_space<semaphore_mem>>) src(%arg13 : memref<128x128xf32, #tpu.memory_space<vmem>>) dst(%dma_wait3A_46 : memref<128x128xf32, #tpu.memory_space<hbm>>)
    %add3A_47 = arith.constant 102272 : i32
    %add3A_48 = arith.addi %mul3A_2, %add3A_47 : i32
    %dma_wait3A_49 = arith.constant 0 : i32
    %dma_wait3A_50 = tpu.memref_slice %arg4[%add3A_48, %dma_wait3A_49] : memref<3276800x128xf32, #tpu.memory_space<hbm>> -> memref<128x128xf32, #tpu.memory_space<hbm>>
    %dma_wait3A_51 = arith.constant 0 : i32
    %dma_wait3A_52 = tpu.memref_slice %arg4[%add3A_48, %dma_wait3A_51] : memref<3276800x128xf32, #tpu.memory_space<hbm>> -> memref<128x128xf32, #tpu.memory_space<hbm>>
    tpu.wait_dma2 semaphore(%arg28 : memref<!tpu.dma_semaphore, #tpu.memory_space<semaphore_mem>>) src(%arg16 : memref<128x128xf32, #tpu.memory_space<vmem>>) dst(%dma_wait3A_52 : memref<128x128xf32, #tpu.memory_space<hbm>>)
    return
  }
}

</mosaic_0001>

<sc_bundles>
// kernel: kernel.3.cloned.1.call-start
scs
__scs_entry_jumppad:
0x0: {  	(pc) =	sbr.rel $0x88, $3  }
0x1: {  	(tag) =	ssettag $0x0;
	lr =	simm.s32 $0x1  }
0x2: {  	[smem:$0x3F9F] =	sst lr;
	_ =	strace $0xD0000000  }
0x3: {  	_ = 	snop  }
0x4: {  	_ = 	snop  }
0x5: {  	_ = 	snop  }
0x6: {  	_ = 	snop  }
0x7: {  	_ = 	snop  }
__scs_overlays_trampoline_lowered:
0x8: {  	[smem:$0x3FAE] =	sst s0  }
0x9: {  	[smem:$0x3FAF] =	sst s1  }
0xa: {  	[smem:$0x3FB0] =	sst s2  }
0xb: {  	[smem:$0x3FB1] =	sst s3  }
0xc: {  	[smem:$0x3FB2] =	sst s4  }
0xd: {  	[smem:$0x3FB3] =	sst s5  }
0xe: {  	[smem:$0x3FB4] =	sst s6  }
0xf: {  	[smem:$0x3FB5] =	sst s7  }
0x10: {  	[smem:$0x3FB6] =	sst s8  }
0x11: {  	[smem:$0x3FB7] =	sst s9;
	s0 =	simm.s32 @!p0 $0x0  }
0x12: {  	s1 =	sld [smem:$0x3F9D];
	s0 =	simm.s32 @p0 $0x1  }
0x13: {  	[smem:$0x3FB8] =	sst s0;
	s0 =	simm.s32 @!p1 $0x0  }
0x14: {  	s2 =	sld [smem:$0x3F9C];
	s0 =	simm.s32 @p1 $0x1  }
0x15: {  	[smem:$0x3FB9] =	sst s0;
	s0 =	simm.s32 @!p2 $0x0  }
0x16: {  	s3 =	sld [smem:$0x3FDB];
	s0 =	simm.s32 @p2 $0x1  }
0x17: {  	s4 =	simm.s32 $0x1BF5;
	[smem:$0x3FBB] =	sst s0  }
0x18: {  	s0 =	sld [smem:$0x3F9E];
	_ =	swait.ge [sflag:s4], $0x0  }
0x19: {  	s7 =	sld [smem:$0x3F9F]  }
0x1a: {  	s8 =	sadd.s32 $0xFFFFE003, lr  }
0x1b: {  	s9 =	sadd.s32 $0xFFFFFEF7, lr;
	s5 =	simm.s32 $0xFFFFFFFF;
	p2 =	slt.u32 s8, $0xFFFFF086  }
0x1c: {  	p1 =	slt.u32 s9, $0xF7A;
	s5 =	simm.s32 @!p2 $0x0  }
0x1d: {  	s5 =	simm.s32 @p1 $0x1;
	p0 =	seq.s32 s7, s2  }
0x1e: {  	s7 =	smul.u32 @!p0 $0xF7A, s2;
	p2 =	seq.s32 @!p0 s5, $0x0  }
0x1f: {  	s9 =	smul.u32 $0xF7A, s1;
	s8 =	simm.s32 @!p0 $0x1BF5;
	p2 =	por !p2, p0  }
0x20: {  	[sflag:s8] =	ssyncset.s32 @!p0 $0xFFFFF086;
	s6 =	sadd.s32 @!p0 s3, s7;
	s7 =	simm.s32 @!p0 $0x108  }
0x21: {  	s3 =	sadd.s32 s3, s9;
	s6 =	sadd.s32 @!p0 $0x88, s6;
	s7 =	simm.s32 @p2 $0x1082  }
0x22: {  	[simem:s7], [sflag:s8] =	dma.local @!p0 [hbm:s6], $0xF7A  }
0x23: {  	s9 =	sor.u32 $0xD0000000, s2;
	s6 =	simm.s32 $0x108;
	_ =	swait.ge @!p0 [sflag:s8], $0x0  }
0x24: {  	s3 =	sadd.s32 $0x88, s3;
	s6 =	simm.s32 @!p1 $0x1082;
	[sflag:s4] =	ssyncset.s32 $0xFFFFF086  }
0x25: {  	[simem:s6], [sflag:s4] =	dma.local [hbm:s3], $0xF7A  }
0x26: {  	[smem:$0x3F9F] =	sst s1;
	(tag) =	ssettag s2;
	_ =	strace s9  }
0x27: {  	s1 =	sld [smem:$0x3FAF]  }
0x28: {  	s2 =	sld [smem:$0x3FB0]  }
0x29: {  	s4 =	sld [smem:$0x3FB2]  }
0x2a: {  	p0 =	seq.s32 s5, $0x0;
	s5 =	sld [smem:$0x3FB3]  }
0x2b: {  	s6 =	sld [smem:$0x3FB4]  }
0x2c: {  	s7 =	sld [smem:$0x3FB5]  }
0x2d: {  	s3 =	simm.s32 $0x108;
	s8 =	sld [smem:$0x3FB6]  }
0x2e: {  	s3 =	simm.s32 @!p0 $0x1082;
	s9 =	sld [smem:$0x3FB7]  }
0x2f: {  	lr =	sadd.s32 s0, s3;
	s0 =	sld [smem:$0x3FAE]  }
0x30: {  	s3 =	sld [smem:$0x3FB1]  }
0x31: {  	[smem:$0x3FBA] =	sst s10  }
0x32: {  	s10 =	sld [smem:$0x3FB8];
	_ =	sdelay $0x3  }
0x33: {  	p0 =	seq.s32 s10, $0x1;
	s10 =	sld [smem:$0x3FBA];
	_ =	sdelay $0x3  }
0x34: {  	[smem:$0x3FBA] =	sst s10  }
0x35: {  	s10 =	sld [smem:$0x3FB9];
	_ =	sdelay $0x3  }
0x36: {  	p1 =	seq.s32 s10, $0x1;
	s10 =	sld [smem:$0x3FBA];
	_ =	sdelay $0x3  }
0x37: {  	[smem:$0x3FBA] =	sst s10  }
0x38: {  	s10 =	sld [smem:$0x3FBB]  }
0x39: {  	_ = 	snop;
	(pc) =	sbr.ind lr, $3  }
0x3a: {  	_ = 	snop  }
0x3b: {  	_ = 	snop  }
0x3c: {  	p2 =	seq.s32 s10, $0x1;
	s10 =	sld [smem:$0x3FBA]  }
0x3d: {  	_ =	shalt  }
0x3e: {  	_ =	shalt  }
0x3f: {  	_ =	shalt  }
0x40: {  	_ =	shalt  }
0x41: {  	_ =	shalt  }
0x42: {  	_ =	shalt  }
0x43: {  	_ =	shalt  }
0x44: {  	_ =	shalt  }
0x45: {  	_ =	shalt  }
0x46: {  	_ =	shalt  }
0x47: {  	_ =	shalt  }
0x48: {  	_ =	shalt  }
0x49: {  	_ =	shalt  }
0x4a: {  	_ =	shalt  }
0x4b: {  	_ =	shalt  }
0x4c: {  	_ =	shalt  }
0x4d: {  	_ =	shalt  }
0x4e: {  	_ =	shalt  }
0x4f: {  	_ =	shalt  }
0x50: {  	_ =	shalt  }
0x51: {  	_ =	shalt  }
0x52: {  	_ =	shalt  }
0x53: {  	_ =	shalt  }
0x54: {  	_ =	shalt  }
0x55: {  	_ =	shalt  }
0x56: {  	_ =	shalt  }
0x57: {  	_ =	shalt  }
0x58: {  	_ =	shalt  }
0x59: {  	_ =	shalt  }
0x5a: {  	_ =	shalt  }
0x5b: {  	_ =	shalt  }
0x5c: {  	_ =	shalt  }
0x5d: {  	_ =	shalt  }
0x5e: {  	_ =	shalt  }
0x5f: {  	_ =	shalt  }
0x60: {  	_ =	shalt  }
0x61: {  	_ =	shalt  }
0x62: {  	_ =	shalt  }
0x63: {  	_ =	shalt  }
0x64: {  	_ =	shalt  }
0x65: {  	_ =	shalt  }
0x66: {  	_ =	shalt  }
0x67: {  	_ =	shalt  }
0x68: {  	_ =	shalt  }
0x69: {  	_ =	shalt  }
0x6a: {  	_ =	shalt  }
0x6b: {  	_ =	shalt  }
0x6c: {  	_ =	shalt  }
0x6d: {  	_ =	shalt  }
0x6e: {  	_ =	shalt  }
0x6f: {  	_ =	shalt  }
0x70: {  	_ =	shalt  }
0x71: {  	_ =	shalt  }
0x72: {  	_ =	shalt  }
0x73: {  	_ =	shalt  }
0x74: {  	_ =	shalt  }
0x75: {  	_ =	shalt  }
0x76: {  	_ =	shalt  }
0x77: {  	_ =	shalt  }
0x78: {  	_ =	shalt  }
0x79: {  	_ =	shalt  }
0x7a: {  	_ =	shalt  }
0x7b: {  	_ =	shalt  }
0x7c: {  	_ =	shalt  }
0x7d: {  	_ =	shalt  }
0x7e: {  	_ =	shalt  }
0x7f: {  	_ =	shalt  }
0x80: {  	_ =	shalt  }
0x81: {  	_ =	shalt  }
0x82: {  	_ =	shalt  }
0x83: {  	_ =	shalt  }
0x84: {  	_ =	shalt  }
0x85: {  	_ =	shalt  }
0x86: {  	_ =	shalt  }
0x87: {  	_ =	shalt  }
.Lfunc_end0:
.L_simem_size_0:
called_computation.1_lowered:
.L_overlay_start_0:
0x88: {  	s2 =	sld [smem:$0x3FD9]  }
0x89: {  	s3 =	sld [smem:$0x3FFE];
	_ =	sdelay $0x1  }
0x8a: {  	s1 =	srdreg.scid  }
0x8b: {  	s0 =	sand.u32 $0x1, s1  }
0x8c: {  	s17 =	sshll.u32 s0, $0xA;
	s2 =	sadd.s32 s3, s2  }
0x8d: {  	s2 =	sadd.s32 s2, s17  }
0x8e: {  	[smem:$0x3FC6] =	sst s2  }
0x8f: {  	_ = 	snop  }
0x90: {  	s2 =	sld [smem:$0x3FD0];
	(tm) =	ssettm $0x1  }
0x91: {  	s18 =	sld [smem:$0x3FFB];
	_ =	sdelay $0x3  }
0x92: {  	_ =	strace s18  }
0x93: {  	s3 =	sld [smem:$0x3FFC];
	_ =	sdelay $0x3  }
0x94: {  	_ =	strace s3  }
0x95: {  	s3 =	sld [smem:$0x3FFD];
	_ =	sdelay $0x3  }
0x96: {  	_ =	strace s3  }
0x97: {  	_ =	strace $0x8FFFFFFF  }
0x98: {  	s19 =	sld [smem:$0x3FDB];
	_ =	sdelay $0x1  }
0x99: {  	s4 =	simm.s32 $_scs_section_size  }
0x9a: {  	s5 =	simm.s32 $_size__tile_overlayer_lowered;
	s6 =	simm.s32 $_tile_overlayer_lowered  }
0x9b: {  	s22 =	simm.s32 $0x1BFF;
	s21 =	sshll.u32 s6, $0x1;
	s3 =	sadd.s32 s4, s19  }
0x9c: {  	s7 =	simm.s32 $0x0;
	s20 =	sshll.u32 s5, $0x1;
	s5 =	sadd.s32 s21, s3  }
0x9d: {  	[timem:s7], [sflag:s22] =	dma.local [hbm:s5], s20  }
0x9e: {  	_ =	swait.ge [sflag:s22], s20  }
0x9f: {  	s4 =	ssub.s32 $0x0, s20;
	[sflag:s22] =	ssyncset.done $0x0  }
0xa0: {  	[sflag:s22] =	ssyncadd.s32 s4;
	_ =	sdelay $0x1  }
0xa1: {  	s23 =	simm.s32 $0x1B8B  }
0xa2: {  	_ =	swait.ge [sflag:s23], $0x1  }
0xa3: {  	[sflag:s23] =	ssyncset.done $0x0  }
0xa4: {  	s25 =	simm.s32 $0x1B8E;
	s24 =	sld [smem:$0x3FFE];
	[sflag:s23] =	ssyncadd.s32 $0xFFFFFFFF  }
0xa5: {  	s26 =	simm.s32 $execute0_lowered;
	[smem:$0x3FD2] =	sst s25  }
0xa6: {  	s5 =	sshll.u32 s26, $0x1;
	_ =	strace $0x80000046;
	[dreg:$0x1] =	wrdreg $0xFFFFFFFF  }
0xa7: {  	s28 =	simm.s32 $_size_execute0_lowered;
	s3 =	sadd.s32 s3, s5;
	[dreg:$0x0] =	wrdreg $0x0  }
0xa8: {  	s5 =	sshll.u32 s28, $0x1;
	[dreg:$0x2] =	wrdreg s3  }
0xa9: {  	[dreg:$0x3] =	wrdreg s5  }
0xaa: {  	[dreg:$0x4] =	wrdreg $0xC0  }
0xab: {  	_ =	task [dreg:s7], $0x5FFFF  }
0xac: {  	[dreg:$0x1] =	wrdreg $0xFFFFFFFF  }
0xad: {  	[dreg:$0x0] =	wrdreg $0x60  }
0xae: {  	[dreg:$0x2] =	wrdreg s2  }
0xaf: {  	[dreg:$0x3] =	wrdreg s24  }
0xb0: {  	[dreg:$0x4] =	wrdreg $0x104000  }
0xb1: {  	[dreg:$0x5] =	wrdreg $0x9  }
0xb2: {  	_ =	task.clear_ibuf [dreg:s7], $0x6FFFF;
	_ =	strace $0x90000046  }
0xb3: {  	s29 =	simm.s32 $0x9;
	_ =	strace $0x80000048  }
0xb4: {  	_ =	swait.ge [sflag:s29], $0x1  }
0xb5: {  	[sflag:s29] =	ssyncadd.s32 $0xFFFFFFFF  }
0xb6: {  	_ =	strace $0x90000048  }
0xb7: {  	_ =	sfence  }
0xb8: {  	s30 =	sld [smem:$0x0];
	_ =	sdelay $0x2  }
0xb9: {  	s31 =	sshll.u32 s1, $0xD;
	s1 =	sshrl.u32 s1, $0x2  }
0xba: {  	s3 =	sand.u32 $0x4000, s31;
	s1 =	sadd.s32 s1, s30  }
0xbb: {  	s0 =	sor.u32 s3, s0;
	s1 =	sshll.u32 s1, $0x11  }
0xbc: {  	s0 =	sor.u32 s1, s0  }
0xbd: {  	s0 =	sadd.s32 $0x8F2B, s0  }
0xbe: {  	[sflag:s0] =	ssyncadd.remote.s32 $0x1  }
0xbf: {  	_ =	sfence.sel $0xFFFF  }
0xc0: {  	[dreg:$0x0] =	wrdreg $0xFFFFFFFF;
	(pc) =	sbr.abs _section_cstart, $3  }
0xc1: {  	[dreg:$0x1] =	wrdreg $0xFFFFFFFF  }
0xc2: {  	_ =	task.clear_ibuf [dreg:s7], $0x2FFFF;
	_ =	strace $0x9FFFFFFF  }
0xc3: {  	(tm) =	ssettm $0x7FFFFFFF  }
tec
execute0_lowered:
.L_overlay_start_1:
0x0: {  	(tag) =	ssettag $0x1  }
0x1: {  	s0 =	rddreg [dreg:$0x0]  }
0x2: {  	s3 =	rddreg [dreg:$0x1]  }
0x3: {  	s1 =	rddreg [dreg:$0x2];
	s4 =	srdreg.scid  }
0x4: {  	s5 =	stileid.u32;
	s2 =	simm.s32 $0x0;
	s28 =	simm.s32 $0x4400  }
0x5: {  	s29 =	simm.s32 $0x5;
	s30 =	simm.s32 $0x3;
	s10 =	smul.u32 $0x32000, s5  }
0x6: {  	s31 =	simm.s32 $0x300;
	s4 =	sand.u32 $0x1, s4;
	s16 =	smul.u32 $0x320000, s5  }
0x7: {  	s6 =	sshll.u32 s5, $0x1;
	[smem:$0x7FF] =	sst s2;
	s13 =	smul.u32 $0x19000, s4  }
0x8: {  	s7 =	sadd.s32 $0x800, s3;
	s6 =	sor.u32 s4, s6;
	s17 =	smul.u32 $0x190000, s4  }
0x9: {  	s3 =	sadd.s32 $0x1400, s3;
	p0 =	sne.s32 s5, $0x0;
	s11 =	smul.u32 $0x19000, s6  }
0xa: {  	_ =	strace $0x80000047;
	s8 =	ssub.s32 $0x2, s4;
	s6 =	smul.u32 $0xC80000, s6  }
0xb: {  	[dreg:$0x4] =	wrdreg s7;
	s4 =	smul.u32 $0xC80000, s4;
	s9 =	sshrl.u32 s8, $0x1  }
0xc: {  	s8 =	ssub.s32 s8, s9;
	s7 =	sshrl.u32 s11, $0x3;
	s6 =	sshrl.u32 s6, $0x3  }
0xd: {  	s8 =	smax.u32 s8, $0x1;
	s12 =	sadd.s32 s0, s7;
	s6 =	sadd.s32 s3, s6  }
0xe: {  	s7 =	sadd.s32 s13, s10;
	[dreg:$0xa] =	wrdreg s8;
	s13 =	smul.u32 $0x1900000, s5  }
0xf: {  	s5 =	simm.s32 $0xC400;
	s11 =	sadd.s32 $0x10, s12;
	[dreg:$0x5] =	wrdreg s12  }
0x10: {  	s8 =	simm.s32 $0x9;
	s14 =	sadd.s32 $0x20, s12;
	[dreg:$0x6] =	wrdreg s11  }
0x11: {  	s9 =	sadd.s32 $0x30, s12;
	s6 =	sadd.s32 $0x18F800, s6;
	[dreg:$0x7] =	wrdreg s14  }
0x12: {  	s15 =	sor.u32 $0x380, s7;
	s18 =	sor.u32 $0x300, s7;
	[dreg:$0x8] =	wrdreg s9  }
0x13: {  	s12 =	sor.u32 $0x280, s7;
	s21 =	sor.u32 $0x200, s7;
	[dreg:$0x9] =	wrdreg s6  }
0x14: {  	s6 =	sshrl.u32 s15, $0x3;
	s19 =	sshrl.u32 s12, $0x3;
	s9 =	sadd.s32 s16, s3  }
0x15: {  	s4 =	sadd.s32 s4, s13;
	s13 =	simm.s32 $0x0;
	s10 =	sadd.s32 s6, s0  }
0x16: {  	s6 =	sshrl.u32 s18, $0x3;
	s12 =	sadd.s32 s19, s0;
	s20 =	sadd.s32 s17, s9  }
0x17: {  	s22 =	sor.u32 $0x8000, s4;
	s23 =	sor.u32 $0x4000, s4;
	s26 =	sshrl.u32 s4, $0x3  }
0x18: {  	s19 =	simm.s32 $0x80;
	s11 =	sadd.s32 s6, s0;
	s6 =	sadd.s32 $0xFFFFF800, s20  }
0x19: {  	s7 =	sshrl.u32 s22, $0x3;
	s25 =	sshrl.u32 s23, $0x3;
	s22 =	simm.s32 $0x1  }
0x1a: {  	s20 =	simm.s32 $0x6;
	[dreg:$0xb] =	wrdreg s6;
	s6 =	sshrl.u32 s21, $0x3  }
0x1b: {  	s24 =	sadd.s32 s7, s3;
	s21 =	simm.s32 $0x4;
	s7 =	simm.s32 $0x8  }
.Ltmp0:
0x1c: {  	s14 =	sadd.s32 s6, s0;
	[dreg:$0xc] =	wrdreg s24;
	(pc) =	sbr.rel .LBB2_1-.Ltmp0, $4  }
0x1d: {  	s0 =	sadd.s32 s25, s3;
	s24 =	simm.s32 $0x400;
	s25 =	simm.s32 $0x2  }
0x1e: {  	s6 =	simm.s32 $0x7;
	[dreg:$0xd] =	wrdreg s0;
	s0 =	sadd.s32 s26, s3  }
0x1f: {  	s26 =	simm.s32 $0x280;
	[dreg:$0xe] =	wrdreg s0;
	s0 =	sshrl.u32 @!p0 s1, $0x3  }
0x20: {  	v0 =	vimm.s32 $0x0;
	s3 =	simm.s32 $0x380;
	[dreg:$0xf] =	wrdreg s0;
	s0 =	simm.s32 $0x8400  }
.LBB2_8:
0x21: {  	_ =	swait.ge [sflag:s7], $0x4000  }
0x22: {  	[sflag:s7] =	ssyncset.done $0x0  }
0x23: {  	s4 =	rddreg [dreg:$0x9];
	[sflag:s7] =	ssyncadd.s32 $0xFFFFC000  }
0x24: {  	[hbm4b:s4+s2] =	stream.linear.scatter [tilespmem:s5], [sflag:$0xC], $0x4000, $0x38;
	[tilespmem:$0x10940] =	vst v63  }
0x25: {  	_ =	swait.ge [sflag:s8], $0x4000  }
0x26: {  	[sflag:s8] =	ssyncset.done $0x0  }
0x27: {  	s9 =	simm.s32 $0xC;
	[sflag:s8] =	ssyncadd.s32 $0xFFFFC000  }
0x28: {  	_ =	swait.ge [sflag:s9], $0x4000  }
0x29: {  	s13 =	rddreg [dreg:$0x10]  }
0x2a: {  	s23 =	rddreg [dreg:$0xa];
	s13 =	sadd.s32 $0x1, s13  }
0x2b: {  	p1 =	sne.s32 s13, s23  }
.Ltmp1:
0x2c: {  	_ = 	snop;
	(pc) =	sbr.rel @!p1 .LBB2_9-.Ltmp1, $3  }
0x2d: {  	_ =	sdelay $0x1  }
0x2e: {  	[sflag:s9] =	ssyncset.done $0x0  }
0x2f: {  	[sflag:s9] =	ssyncadd.s32 $0xFFFFC000  }
.LBB2_1:
0x30: {  	[dreg:$0x10] =	wrdreg s13  }
0x31: {  	s9 =	rddreg [dreg:$0x4]  }
0x32: {  	s4 =	simm.s32 @!p0 $0x1C0D;
	s13 =	rddreg [dreg:$0xf]  }
0x33: {  	[spmem:s13], [sflag:s4] =	dma.local @!p0 [hbm:s9], $0xA80  }
0x34: {  	s4 =	simm.s32 @!p0 $0xD  }
0x35: {  	_ =	swait.ge @!p0 [sflag:s4], $0xA80  }
0x36: {  	[sflag:s4] =	ssyncset.done @!p0 $0x0  }
0x37: {  	[sflag:s4] =	ssyncadd.s32 @!p0 $0xFFFFF580  }
0x38: {  	[bflag:$0x0] =	sbarrier.arrive $0xFFFF  }
0x39: {  	s13 =	rddreg [dreg:$0x5]  }
0x3a: {  	s15 =	rddreg [dreg:$0x6]  }
0x3b: {  	[tilespmem:s2], [sflag:$0x1] =	stream.linear.gather [hbm4b:s13+s2], $0x80, $0x38;
	[tilespmem:$0x10940] =	vst v63  }
0x3c: {  	s16 =	rddreg [dreg:$0x7]  }
0x3d: {  	[tilespmem:s19], [sflag:$0x2] =	stream.linear.gather [hbm4b:s15+s2], $0x80, $0x38;
	[tilespmem:$0x10940] =	vst v63  }
0x3e: {  	s17 =	simm.s32 $0x100;
	s18 =	rddreg [dreg:$0x8]  }
0x3f: {  	[tilespmem:s17], [sflag:$0x3] =	stream.linear.gather [hbm4b:s16+s2], $0x80, $0x38;
	[tilespmem:$0x10940] =	vst v63  }
.Ltmp2:
0x40: {  	s15 =	rddreg [dreg:$0xc];
	(pc) =	sbr.rel .LBB2_2-.Ltmp2, $4  }
0x41: {  	s17 =	rddreg [dreg:$0xe]  }
0x42: {  	s23 =	simm.s32 $0x180;
	s16 =	rddreg [dreg:$0xd]  }
0x43: {  	[tilespmem:s23], [sflag:$0x4] =	stream.linear.gather [hbm4b:s18+s2], $0x80, $0x38;
	[tilespmem:$0x10940] =	vst v63  }
0x44: {  	s4 =	simm.s32 $0x0;
	s18 =	rddreg [dreg:$0xb]  }
.LBB2_6:
0x45: {  	_ =	swait.ge [sflag:s7], $0x4000  }
0x46: {  	[sflag:s7] =	ssyncset.done $0x0  }
0x47: {  	[sflag:s7] =	ssyncadd.s32 $0xFFFFC000  }
0x48: {  	[hbm4b:s18+s2] =	stream.linear.scatter [tilespmem:s5], [sflag:$0xC], $0x4000, $0x38;
	[tilespmem:$0x10940] =	vst v63  }
.LBB2_7:
0x49: {  	_ =	swait.ge [sflag:s25], $0x80  }
0x4a: {  	[sflag:s25] =	ssyncset.done $0x0  }
0x4b: {  	[sflag:s25] =	ssyncadd.s32 $0xFFFFFF80  }
0x4c: {  	v1 =	vld [tilespmem:$0x80];
	_ =	sdelay $0x4  }
0x4d: {  	v2 =	vcvt.s32.f32 v1;
	_ =	sdelay $0x1  }
0x4e: {  	v2 =	vmul.f32 $2.777777850e-04, v2;
	_ =	sdelay $0x1  }
0x4f: {  	v3 =	vld [tilespmem:$0x90];
	v2 =	vtrunc.f32 v2  }
0x50: {  	v5 =	vld [tilespmem:$0xA0];
	v2 =	vcvt.f32.s32 v2  }
0x51: {  	v8 =	vld [tilespmem:$0xB0]  }
0x52: {  	v19 =	vld [tilespmem:$0xC0];
	v4 =	vmul.u32 $0xFFFFF1F0, v2;
	_ =	sdelay $0x1  }
0x53: {  	v11 =	vcvt.s32.f32 v3;
	v1 =	vadd.s32 v1, v4  }
0x54: {  	v30 =	vld [tilespmem:$0xE0];
	v13 =	vcvt.s32.f32 v5;
	vm0 =	vgt.s32 v1, $0xE0F;
	v1 =	vshra.s32 v1, $0x1F  }
0x55: {  	v6 =	vsel vm0, $0x1, v0;
	v1 =	vadd.s32 v2, v1;
	v2 =	vmul.f32 $2.777777850e-04, v11  }
0x56: {  	v26 =	vld [tilespmem:$0xD0];
	v15 =	vcvt.s32.f32 v8;
	v22 =	vcvt.s32.f32 v19;
	v1 =	vadd.s32 v6, v1  }
0x57: {  	v12 =	vcvt.s32.f32 v1;
	v2 =	vtrunc.f32 v2  }
0x58: {  	v6 =	vmul.f32 $2.777777850e-04, v13;
	v2 =	vcvt.f32.s32 v2  }
0x59: {  	v36 =	vcvt.s32.f32 v30;
	v4 =	vmul.f32 $5.952381060e-03, v12  }
0x5a: {  	v17 =	vmul.f32 $2.777777850e-04, v15;
	v13 =	vld [tilespmem:$0xF0];
	v6 =	vtrunc.f32 v6;
	v7 =	vmul.u32 $0xFFFFF1F0, v2  }
0x5b: {  	v12 =	vcvt.s32.f32 v26;
	v4 =	vtrunc.f32 v4  }
0x5c: {  	v6 =	vcvt.f32.s32 v6;
	v4 =	vcvt.f32.s32 v4;
	v3 =	vadd.s32 v3, v7  }
0x5d: {  	v33 =	vmul.f32 $2.777777850e-04, v12;
	vm4 =	vgt.s32 v3, $0xE0F;
	v3 =	vshra.s32 v3, $0x1F  }
0x5e: {  	v4 =	vmul.u32 $0xFFFFFF58, v4;
	v14 =	vsel vm4, $0x1, v0;
	v2 =	vadd.s32 v2, v3  }
0x5f: {  	v37 =	vcvt.s32.f32 v13;
	v3 =	vmul.u32 $0xFFFFF1F0, v6;
	v2 =	vadd.s32 v14, v2  }
0x60: {  	v35 =	vtrunc.f32 v33;
	v1 =	vadd.s32 v1, v4;
	v16 =	vcvt.s32.f32 v2  }
0x61: {  	v3 =	vadd.s32 v5, v3;
	v5 =	vtrunc.f32 v17;
	vm5 =	vgt.s32 v1, $0xA7  }
0x62: {  	vm1 =	vgt.s32 v3, $0xE0F;
	v3 =	vshra.s32 v3, $0x1F;
	v5 =	vcvt.f32.s32 v5  }
0x63: {  	v20 =	vadd.s32 $0xFFFFFF58, v1;
	v18 =	vsel vm1, $0x1, v0;
	v3 =	vadd.s32 v6, v3  }
0x64: {  	v4 =	vmul.f32 $5.952381060e-03, v16;
	v1 =	vsel vm5, v20, v1;
	v3 =	vadd.s32 v18, v3  }
0x65: {  	v21 =	vmul.u32 $0xFFFFF1F0, v5;
	vm0 =	vlt.s32 v1, $0x0;
	v10 =	vadd.s32 $0xA8, v1  }
0x66: {  	v4 =	vtrunc.f32 v4;
	v9 =	vcvt.s32.f32 v3;
	v1 =	vsel vm0, v10, v1  }
0x67: {  	v10 =	vmul.f32 $2.777777850e-04, v36;
	v4 =	vcvt.f32.s32 v4;
	v7 =	vadd.s32 v8, v21  }
0x68: {  	v8 =	vmul.f32 $2.777777850e-04, v22;
	v9 =	vmul.f32 $5.952381060e-03, v9;
	vm6 =	vgt.s32 v7, $0xE0F  }
0x69: {  	v7 =	vshra.s32 v7, $0x1F;
	v10 =	vtrunc.f32 v10;
	v4 =	vmul.u32 $0xFFFFFF58, v4  }
0x6a: {  	v24 =	vsel vm6, $0x1, v0;
	v5 =	vadd.s32 v5, v7;
	v8 =	vtrunc.f32 v8  }
0x6b: {  	v10 =	vcvt.f32.s32 v10;
	v23 =	vtrunc.f32 v9;
	v5 =	vadd.s32 v24, v5  }
0x6c: {  	v8 =	vcvt.f32.s32 v8;
	v2 =	vadd.s32 v2, v4;
	v4 =	vcvt.f32.s32 v23  }
0x6d: {  	v9 =	vcvt.s32.f32 v5;
	vm7 =	vgt.s32 v2, $0xA7;
	v25 =	vadd.s32 $0xFFFFFF58, v2  }
0x6e: {  	v28 =	vmul.u32 $0xFFFFF1F0, v8;
	v4 =	vmul.u32 $0xFFFFFF58, v4;
	v2 =	vsel vm7, v25, v2  }
0x6f: {  	v41 =	vmul.u32 $0xFFFFF1F0, v10;
	v27 =	vmul.f32 $5.952381060e-03, v9;
	vm8 =	vlt.s32 v2, $0x0  }
0x70: {  	v29 =	vadd.s32 $0xA8, v2;
	v6 =	vadd.s32 v19, v28;
	v3 =	vadd.s32 v3, v4  }
0x71: {  	v4 =	vtrunc.f32 v27;
	vm10 =	vgt.s32 v6, $0xE0F;
	v6 =	vshra.s32 v6, $0x1F  }
0x72: {  	vm9 =	vgt.s32 v3, $0xA7;
	v11 =	vadd.s32 $0xFFFFFF58, v3;
	v4 =	vcvt.f32.s32 v4  }
0x73: {  	v31 =	vsel vm10, $0x1, v0;
	v6 =	vadd.s32 v8, v6;
	v3 =	vsel vm9, v11, v3  }
0x74: {  	v6 =	vadd.s32 v31, v6;
	v11 =	vmul.f32 $2.777777850e-04, v37;
	v4 =	vmul.u32 $0xFFFFFF58, v4  }
0x75: {  	v2 =	vsel vm8, v29, v2;
	vm11 =	vlt.s32 v3, $0x0;
	v34 =	vcvt.s32.f32 v6  }
0x76: {  	v11 =	vtrunc.f32 v11;
	v4 =	vadd.s32 v5, v4;
	v5 =	vcvt.f32.s32 v35  }
0x77: {  	v32 =	vadd.s32 $0xA8, v3;
	v8 =	vmul.f32 $5.952381060e-03, v34;
	v11 =	vcvt.f32.s32 v11  }
0x78: {  	v3 =	vsel vm11, v32, v3;
	vm12 =	vgt.s32 v4, $0xA7;
	v39 =	vmul.u32 $0xFFFFF1F0, v5  }
0x79: {  	v38 =	vadd.s32 $0xFFFFFF58, v4;
	v8 =	vtrunc.f32 v8;
	v42 =	vmul.u32 $0xFFFFF1F0, v11  }
0x7a: {  	v4 =	vsel vm12, v38, v4;
	v8 =	vcvt.f32.s32 v8;
	v7 =	vadd.s32 v26, v39  }
0x7b: {  	v12 =	vadd.s32 v13, v42;
	vm13 =	vgt.s32 v7, $0xE0F;
	v7 =	vshra.s32 v7, $0x1F  }
0x7c: {  	v8 =	vmul.u32 $0xFFFFFF58, v8;
	vm15 =	vgt.s32 v12, $0xE0F;
	v45 =	vshra.s32 v12, $0x1F  }
0x7d: {  	v40 =	vsel vm13, $0x1, v0;
	v5 =	vadd.s32 v5, v7;
	v7 =	vadd.s32 v30, v41  }
0x7e: {  	v5 =	vadd.s32 v40, v5;
	vm14 =	vgt.s32 v7, $0xE0F;
	v7 =	vshra.s32 v7, $0x1F  }
0x7f: {  	v43 =	vcvt.s32.f32 v5;
	v44 =	vsel vm14, $0x1, v0;
	v7 =	vadd.s32 v10, v7  }
0x80: {  	v46 =	vsel vm15, $0x1, v0;
	v10 =	vadd.s32 v11, v45;
	v7 =	vadd.s32 v44, v7  }
0x81: {  	v10 =	vadd.s32 v46, v10;
	v9 =	vmul.f32 $5.952381060e-03, v43;
	v47 =	vcvt.s32.f32 v7  }
0x82: {  	vm0 =	vlt.s32 v4, $0x0;
	v14 =	vadd.s32 $0xA8, v4;
	v49 =	vcvt.s32.f32 v10  }
0x83: {  	v6 =	vadd.s32 v6, v8;
	v9 =	vtrunc.f32 v9;
	v11 =	vmul.f32 $5.952381060e-03, v47  }
0x84: {  	v4 =	vsel vm0, v14, v4;
	vm4 =	vgt.s32 v6, $0xA7;
	v48 =	vcvt.f32.s32 v9  }
0x85: {  	v50 =	vadd.s32 $0xFFFFFF58, v6;
	v9 =	vmul.f32 $5.952381060e-03, v49;
	v11 =	vtrunc.f32 v11  }
0x86: {  	v6 =	vsel vm4, v50, v6;
	v8 =	vmul.u32 $0xFFFFFF58, v48;
	v51 =	vcvt.f32.s32 v11  }
0x87: {  	vm5 =	vlt.s32 v6, $0x0;
	v12 =	vadd.s32 $0xA8, v6;
	v9 =	vtrunc.f32 v9  }
0x88: {  	v9 =	vcvt.f32.s32 v9;
	v5 =	vadd.s32 v5, v8;
	v8 =	vmul.u32 $0xFFFFFF58, v51  }
0x89: {  	[tilespmem:$0x290] =	vst v2;
	v2 =	vsel vm5, v12, v6;
	vm6 =	vgt.s32 v5, $0xA7;
	v52 =	vadd.s32 $0xFFFFFF58, v5  }
0x8a: {  	v9 =	vmul.u32 $0xFFFFFF58, v9;
	v5 =	vsel vm6, v52, v5;
	v53 =	vadd.s32 v7, v8  }
0x8b: {  	[tilespmem:$0x280] =	vst v1;
	vm1 =	vlt.s32 v5, $0x0;
	v1 =	vadd.s32 $0xA8, v5;
	vm7 =	vgt.s32 v53, $0xA7  }
0x8c: {  	[tilespmem:$0x2A0] =	vst v3;
	v3 =	vadd.s32 $0xFFFFFF58, v53;
	v54 =	vadd.s32 v10, v9;
	v1 =	vsel vm1, v1, v5  }
0x8d: {  	[tilespmem:$0x2B0] =	vst v4;
	v3 =	vsel vm7, v3, v53;
	vm8 =	vgt.s32 v54, $0xA7;
	v55 =	vadd.s32 $0xFFFFFF58, v54  }
0x8e: {  	[tilespmem:$0x2C0] =	vst v2;
	vm9 =	vlt.s32 v3, $0x0;
	v2 =	vadd.s32 $0xA8, v3;
	v4 =	vsel vm8, v55, v54  }
0x8f: {  	[tilespmem:$0x2D0] =	vst v1;
	v1 =	vsel vm9, v2, v3;
	vm0 =	vlt.s32 v4, $0x0;
	v2 =	vadd.s32 $0xA8, v4  }
0x90: {  	p2 =	seq.s32 s4, $0x0;
	[tilespmem:$0x2E0] =	vst v1;
	v1 =	vsel vm0, v2, v4  }
0x91: {  	s9 =	simm.s32 @!p2 $0xA;
	[tilespmem:$0x2F0] =	vst v1  }
0x92: {  	_ =	swait.ge @!p2 [sflag:s9], $0x4000  }
0x93: {  	[sflag:s9] =	ssyncset.done @!p2 $0x0  }
0x94: {  	[sflag:s9] =	ssyncadd.s32 @!p2 $0xFFFFC000  }
0x95: {  	[tilespmem:s28], [sflag:$0x6] =	stream.indirect.gather [spmem:s1], $0x80, s26, s19, $0xb8;
	[tilespmem:$0x10940] =	vst v63  }
0x96: {  	s13 =	sadd.s32 @!p1 s4, s12;
	s23 =	simm.s32 @!p1 $0x80;
	s9 =	simm.s32 @!p1 $0x0  }
0x97: {  	[tilespmem:s23], [sflag:$0x2] =	stream.linear.gather @!p1 [hbm4b:s13+s9], $0x80, $0x38;
	[tilespmem:$0x10940] =	vst v63  }
0x98: {  	_ =	swait.ge [sflag:s29], $0x4000  }
0x99: {  	[sflag:s29] =	ssyncset.done $0x0  }
0x9a: {  	[sflag:s29] =	ssyncadd.s32 $0xFFFFC000  }
0x9b: {  	[hbm4b:s17+s2] =	stream.linear.scatter [tilespmem:s24], [sflag:$0x9], $0x4000, $0x38;
	[tilespmem:$0x10940] =	vst v63  }
0x9c: {  	_ =	swait.ge [sflag:s30], $0x80  }
0x9d: {  	[sflag:s30] =	ssyncset.done $0x0  }
0x9e: {  	[sflag:s30] =	ssyncadd.s32 $0xFFFFFF80  }
0x9f: {  	v1 =	vld [tilespmem:$0x100]  }
0xa0: {  	v3 =	vld [tilespmem:$0x110]  }
0xa1: {  	v58 =	vld [tilespmem:$0x120]  }
0xa2: {  	v63 =	vld [tilespmem:$0x130]  }
0xa3: {  	v14 =	vld [tilespmem:$0x140]  }
0xa4: {  	v23 =	vld [tilespmem:$0x150]  }
0xa5: {  	v28 =	vld [tilespmem:$0x160];
	v2 =	vcvt.s32.f32 v1  }
0xa6: {  	v31 =	vld [tilespmem:$0x170]  }
0xa7: {  	v57 =	vcvt.s32.f32 v3;
	v2 =	vmul.f32 $2.777777850e-04, v2  }
0xa8: {  	v61 =	vcvt.s32.f32 v58;
	v10 =	vcvt.s32.f32 v63  }
0xa9: {  	v19 =	vcvt.s32.f32 v14;
	v2 =	vtrunc.f32 v2  }
0xaa: {  	v30 =	vcvt.s32.f32 v23;
	v2 =	vcvt.f32.s32 v2  }
0xab: {  	v36 =	vcvt.s32.f32 v28;
	v37 =	vcvt.s32.f32 v31  }
0xac: {  	v6 =	vmul.f32 $2.777777850e-04, v61;
	v12 =	vmul.f32 $2.777777850e-04, v10;
	v56 =	vmul.u32 $0xFFFFF1F0, v2  }
0xad: {  	v8 =	vmul.f32 $2.777777850e-04, v19;
	v33 =	vmul.f32 $2.777777850e-04, v30  }
0xae: {  	v10 =	vmul.f32 $2.777777850e-04, v36;
	v6 =	vtrunc.f32 v6;
	v1 =	vadd.s32 v1, v56  }
0xaf: {  	v5 =	vtrunc.f32 v12;
	vm10 =	vgt.s32 v1, $0xE0F;
	v1 =	vshra.s32 v1, $0x1F  }
0xb0: {  	v8 =	vtrunc.f32 v8;
	v1 =	vadd.s32 v2, v1;
	v2 =	vmul.f32 $2.777777850e-04, v57  }
0xb1: {  	v35 =	vtrunc.f32 v33;
	v5 =	vcvt.f32.s32 v5;
	v59 =	vsel vm10, $0x1, v0  }
0xb2: {  	v10 =	vtrunc.f32 v10;
	v1 =	vadd.s32 v59, v1;
	v2 =	vtrunc.f32 v2  }
0xb3: {  	v17 =	vmul.u32 $0xFFFFF1F0, v5;
	v60 =	vcvt.s32.f32 v1;
	v2 =	vcvt.f32.s32 v2  }
0xb4: {  	v6 =	vcvt.f32.s32 v6;
	v8 =	vcvt.f32.s32 v8  }
0xb5: {  	v7 =	vadd.s32 v63, v17;
	v4 =	vmul.f32 $5.952381060e-03, v60;
	v62 =	vmul.u32 $0xFFFFF1F0, v2  }
0xb6: {  	v10 =	vcvt.f32.s32 v10;
	v25 =	vmul.u32 $0xFFFFF1F0, v8;
	vm14 =	vgt.s32 v7, $0xE0F  }
0xb7: {  	v7 =	vshra.s32 v7, $0x1F;
	v4 =	vtrunc.f32 v4;
	v3 =	vadd.s32 v3, v62  }
0xb8: {  	v4 =	vcvt.f32.s32 v4;
	vm11 =	vgt.s32 v3, $0xE0F;
	v3 =	vshra.s32 v3, $0x1F  }
0xb9: {  	v9 =	vsel vm11, $0x1, v0;
	v2 =	vadd.s32 v2, v3;
	v3 =	vmul.u32 $0xFFFFF1F0, v6  }
0xba: {  	v21 =	vsel vm14, $0x1, v0;
	v4 =	vmul.u32 $0xFFFFFF58, v4;
	v2 =	vadd.s32 v9, v2  }
0xbb: {  	v5 =	vadd.s32 v5, v7;
	v11 =	vcvt.s32.f32 v2;
	v3 =	vadd.s32 v58, v3  }
0xbc: {  	v1 =	vadd.s32 v1, v4;
	vm13 =	vgt.s32 v3, $0xE0F;
	v3 =	vshra.s32 v3, $0x1F  }
0xbd: {  	v4 =	vmul.f32 $5.952381060e-03, v11;
	v13 =	vsel vm13, $0x1, v0;
	v3 =	vadd.s32 v6, v3  }
0xbe: {  	v41 =	vmul.u32 $0xFFFFF1F0, v10;
	v5 =	vadd.s32 v21, v5;
	v3 =	vadd.s32 v13, v3  }
0xbf: {  	vm12 =	vgt.s32 v1, $0xA7;
	v4 =	vtrunc.f32 v4;
	v16 =	vcvt.s32.f32 v3  }
0xc0: {  	v15 =	vadd.s32 $0xFFFFFF58, v1;
	v6 =	vadd.s32 v14, v25;
	v4 =	vcvt.f32.s32 v4  }
0xc1: {  	v11 =	vmul.f32 $2.777777850e-04, v37;
	vm6 =	vgt.s32 v6, $0xE0F;
	v9 =	vmul.f32 $5.952381060e-03, v16  }
0xc2: {  	v6 =	vshra.s32 v6, $0x1F;
	v29 =	vsel vm6, $0x1, v0;
	v4 =	vmul.u32 $0xFFFFFF58, v4  }
0xc3: {  	v6 =	vadd.s32 v8, v6;
	v11 =	vtrunc.f32 v11;
	v20 =	vtrunc.f32 v9  }
0xc4: {  	v9 =	vcvt.s32.f32 v5;
	v2 =	vadd.s32 v2, v4;
	v4 =	vcvt.f32.s32 v20  }
0xc5: {  	v1 =	vsel vm12, v15, v1;
	v6 =	vadd.s32 v29, v6;
	v11 =	vcvt.f32.s32 v11  }
0xc6: {  	v34 =	vcvt.s32.f32 v6;
	v24 =	vmul.f32 $5.952381060e-03, v9;
	v4 =	vmul.u32 $0xFFFFFF58, v4  }
0xc7: {  	vm0 =	vlt.s32 v1, $0x0;
	v18 =	vadd.s32 $0xA8, v1;
	v42 =	vmul.u32 $0xFFFFF1F0, v11  }
0xc8: {  	v8 =	vmul.f32 $5.952381060e-03, v34;
	v3 =	vadd.s32 v3, v4;
	v4 =	vtrunc.f32 v24  }
0xc9: {  	v1 =	vsel vm0, v18, v1;
	v12 =	vadd.s32 v31, v42;
	v4 =	vcvt.f32.s32 v4  }
0xca: {  	vm15 =	vgt.s32 v2, $0xA7;
	v22 =	vadd.s32 $0xFFFFFF58, v2;
	v8 =	vtrunc.f32 v8  }
0xcb: {  	vm11 =	vgt.s32 v12, $0xE0F;
	v46 =	vshra.s32 v12, $0x1F;
	v4 =	vmul.u32 $0xFFFFFF58, v4  }
0xcc: {  	v2 =	vsel vm15, v22, v2;
	v8 =	vcvt.f32.s32 v8;
	v47 =	vsel vm11, $0x1, v0  }
0xcd: {  	vm4 =	vlt.s32 v2, $0x0;
	v4 =	vadd.s32 v5, v4;
	v5 =	vcvt.f32.s32 v35  }
0xce: {  	v8 =	vmul.u32 $0xFFFFFF58, v8;
	vm5 =	vgt.s32 v3, $0xA7;
	v27 =	vadd.s32 $0xFFFFFF58, v3  }
0xcf: {  	v26 =	vadd.s32 $0xA8, v2;
	v3 =	vsel vm5, v27, v3;
	v39 =	vmul.u32 $0xFFFFF1F0, v5  }
0xd0: {  	v2 =	vsel vm4, v26, v2;
	v6 =	vadd.s32 v6, v8;
	vm7 =	vlt.s32 v3, $0x0  }
0xd1: {  	v32 =	vadd.s32 $0xA8, v3;
	vm12 =	vgt.s32 v6, $0xA7;
	v7 =	vadd.s32 v23, v39  }
0xd2: {  	v51 =	vadd.s32 $0xFFFFFF58, v6;
	vm9 =	vgt.s32 v7, $0xE0F;
	v7 =	vshra.s32 v7, $0x1F  }
0xd3: {  	v40 =	vsel vm9, $0x1, v0;
	v5 =	vadd.s32 v5, v7;
	v7 =	vadd.s32 v28, v41  }
0xd4: {  	v5 =	vadd.s32 v40, v5;
	vm10 =	vgt.s32 v7, $0xE0F;
	v7 =	vshra.s32 v7, $0x1F  }
0xd5: {  	v44 =	vcvt.s32.f32 v5;
	v45 =	vsel vm10, $0x1, v0;
	v7 =	vadd.s32 v10, v7  }
0xd6: {  	v6 =	vsel vm12, v51, v6;
	v10 =	vadd.s32 v11, v46;
	v7 =	vadd.s32 v45, v7  }
0xd7: {  	v10 =	vadd.s32 v47, v10;
	v9 =	vmul.f32 $5.952381060e-03, v44;
	v48 =	vcvt.s32.f32 v7  }
0xd8: {  	v3 =	vsel vm7, v32, v3;
	vm13 =	vlt.s32 v6, $0x0;
	v50 =	vcvt.s32.f32 v10  }
0xd9: {  	v12 =	vadd.s32 $0xA8, v6;
	v9 =	vtrunc.f32 v9;
	v11 =	vmul.f32 $5.952381060e-03, v48  }
0xda: {  	vm8 =	vgt.s32 v4, $0xA7;
	v38 =	vadd.s32 $0xFFFFFF58, v4;
	v49 =	vcvt.f32.s32 v9  }
0xdb: {  	[tilespmem:$0x310] =	vst v2;
	v2 =	vsel vm13, v12, v6;
	v9 =	vmul.f32 $5.952381060e-03, v50;
	v11 =	vtrunc.f32 v11  }
0xdc: {  	v4 =	vsel vm8, v38, v4;
	v8 =	vmul.u32 $0xFFFFFF58, v49;
	v52 =	vcvt.f32.s32 v11  }
0xdd: {  	vm0 =	vlt.s32 v4, $0x0;
	v43 =	vadd.s32 $0xA8, v4;
	v9 =	vtrunc.f32 v9  }
0xde: {  	v9 =	vcvt.f32.s32 v9;
	v5 =	vadd.s32 v5, v8;
	v8 =	vmul.u32 $0xFFFFFF58, v52  }
0xdf: {  	v4 =	vsel vm0, v43, v4;
	vm14 =	vgt.s32 v5, $0xA7;
	v53 =	vadd.s32 $0xFFFFFF58, v5  }
0xe0: {  	v9 =	vmul.u32 $0xFFFFFF58, v9;
	v5 =	vsel vm14, v53, v5;
	v54 =	vadd.s32 v7, v8  }
0xe1: {  	[tilespmem:$0x300] =	vst v1;
	vm1 =	vlt.s32 v5, $0x0;
	v1 =	vadd.s32 $0xA8, v5;
	vm15 =	vgt.s32 v54, $0xA7  }
0xe2: {  	[tilespmem:$0x320] =	vst v3;
	v3 =	vadd.s32 $0xFFFFFF58, v54;
	v55 =	vadd.s32 v10, v9;
	v1 =	vsel vm1, v1, v5  }
0xe3: {  	[tilespmem:$0x340] =	vst v2;
	v3 =	vsel vm15, v3, v54;
	vm4 =	vgt.s32 v55, $0xA7;
	v56 =	vadd.s32 $0xFFFFFF58, v55  }
0xe4: {  	[tilespmem:$0x330] =	vst v4;
	vm5 =	vlt.s32 v3, $0x0;
	v2 =	vadd.s32 $0xA8, v3;
	v4 =	vsel vm4, v56, v55  }
0xe5: {  	[tilespmem:$0x350] =	vst v1;
	v1 =	vsel vm5, v2, v3;
	vm0 =	vlt.s32 v4, $0x0;
	v2 =	vadd.s32 $0xA8, v4  }
0xe6: {  	[tilespmem:$0x360] =	vst v1;
	v1 =	vsel vm0, v2, v4  }
0xe7: {  	s13 =	simm.s32 @!p2 $0xB;
	[tilespmem:$0x370] =	vst v1  }
0xe8: {  	_ =	swait.ge @!p2 [sflag:s13], $0x4000  }
0xe9: {  	[sflag:s13] =	ssyncset.done @!p2 $0x0  }
0xea: {  	[sflag:s13] =	ssyncadd.s32 @!p2 $0xFFFFC000  }
0xeb: {  	[tilespmem:s0], [sflag:$0x7] =	stream.indirect.gather [spmem:s1], $0x80, s31, s19, $0xb8;
	[tilespmem:$0x10940] =	vst v63  }
0xec: {  	s23 =	simm.s32 @!p1 $0x100;
	s13 =	sadd.s32 @!p1 s4, s11  }
0xed: {  	[tilespmem:s23], [sflag:$0x3] =	stream.linear.gather @!p1 [hbm4b:s13+s9], $0x80, $0x38;
	[tilespmem:$0x10940] =	vst v63  }
0xee: {  	_ =	swait.ge [sflag:s20], $0x4000  }
0xef: {  	[sflag:s20] =	ssyncset.done $0x0  }
0xf0: {  	[sflag:s20] =	ssyncadd.s32 $0xFFFFC000  }
0xf1: {  	[hbm4b:s16+s2] =	stream.linear.scatter [tilespmem:s28], [sflag:$0xA], $0x4000, $0x38;
	[tilespmem:$0x10940] =	vst v63  }
0xf2: {  	_ =	swait.ge [sflag:s21], $0x80  }
0xf3: {  	[sflag:s21] =	ssyncset.done $0x0  }
0xf4: {  	[sflag:s21] =	ssyncadd.s32 $0xFFFFFF80  }
0xf5: {  	v1 =	vld [tilespmem:$0x180];
	_ =	sdelay $0x4  }
0xf6: {  	v3 =	vld [tilespmem:$0x190];
	v2 =	vcvt.s32.f32 v1;
	_ =	sdelay $0x1  }
0xf7: {  	v2 =	vmul.f32 $2.777777850e-04, v2;
	_ =	sdelay $0x1  }
0xf8: {  	v2 =	vtrunc.f32 v2  }
0xf9: {  	v58 =	vcvt.s32.f32 v3;
	v2 =	vcvt.f32.s32 v2;
	_ =	sdelay $0x1  }
0xfa: {  	v59 =	vmul.f32 $2.777777850e-04, v58;
	v57 =	vmul.u32 $0xFFFFF1F0, v2  }
0xfb: {  	v12 =	vld [tilespmem:$0x1B0]  }
0xfc: {  	v15 =	vld [tilespmem:$0x1C0];
	v4 =	vtrunc.f32 v59;
	v1 =	vadd.s32 v1, v57  }
0xfd: {  	v29 =	vld [tilespmem:$0x1D0];
	v4 =	vcvt.f32.s32 v4;
	vm6 =	vgt.s32 v1, $0xE0F;
	v1 =	vshra.s32 v1, $0x1F  }
0xfe: {  	v1 =	vadd.s32 v2, v1;
	v2 =	vld [tilespmem:$0x1A0]  }
0xff: {  	v35 =	vld [tilespmem:$0x1E0];
	v61 =	vmul.u32 $0xFFFFF1F0, v4;
	v60 =	vsel vm6, $0x1, v0  }
0x100: {  	v1 =	vadd.s32 v60, v1  }
0x101: {  	v17 =	vcvt.s32.f32 v12;
	v3 =	vadd.s32 v3, v61;
	v5 =	vcvt.s32.f32 v1  }
0x102: {  	v37 =	vld [tilespmem:$0x1F0];
	v20 =	vcvt.s32.f32 v15;
	v36 =	vcvt.s32.f32 v29;
	vm7 =	vgt.s32 v3, $0xE0F  }
0x103: {  	v3 =	vshra.s32 v3, $0x1F;
	v5 =	vmul.f32 $5.952381060e-03, v5;
	v62 =	vcvt.s32.f32 v2  }
0x104: {  	v39 =	vcvt.s32.f32 v35;
	v9 =	vsel vm7, $0x1, v0;
	v3 =	vadd.s32 v4, v3  }
0x105: {  	v3 =	vadd.s32 v9, v3;
	v5 =	vtrunc.f32 v5;
	v63 =	vmul.f32 $2.777777850e-04, v62  }
0x106: {  	v11 =	vcvt.s32.f32 v3;
	v5 =	vcvt.f32.s32 v5  }
0x107: {  	v40 =	vcvt.s32.f32 v37;
	v10 =	vtrunc.f32 v63  }
0x108: {  	v13 =	vmul.f32 $5.952381060e-03, v11;
	v5 =	vmul.u32 $0xFFFFFF58, v5;
	v4 =	vcvt.f32.s32 v10  }
0x109: {  	v19 =	vmul.f32 $2.777777850e-04, v17;
	v6 =	vmul.f32 $2.777777850e-04, v20  }
0x10a: {  	v1 =	vadd.s32 v1, v5;
	v5 =	vtrunc.f32 v13;
	v14 =	vmul.u32 $0xFFFFF1F0, v4  }
0x10b: {  	v42 =	vmul.f32 $2.777777850e-04, v39;
	v5 =	vcvt.f32.s32 v5  }
0x10c: {  	v22 =	vtrunc.f32 v6;
	vm8 =	vgt.s32 v1, $0xA7;
	v2 =	vadd.s32 v2, v14  }
0x10d: {  	v16 =	vadd.s32 $0xFFFFFF58, v1;
	v5 =	vmul.u32 $0xFFFFFF58, v5;
	vm9 =	vgt.s32 v2, $0xE0F  }
0x10e: {  	v1 =	vsel vm8, v16, v1;
	v2 =	vshra.s32 v2, $0x1F;
	v18 =	vsel vm9, $0x1, v0  }
0x10f: {  	v2 =	vadd.s32 v4, v2;
	v4 =	vtrunc.f32 v19;
	v3 =	vadd.s32 v3, v5  }
0x110: {  	v5 =	vcvt.f32.s32 v22;
	v2 =	vadd.s32 v18, v2;
	v4 =	vcvt.f32.s32 v4  }
0x111: {  	vm10 =	vlt.s32 v1, $0x0;
	v21 =	vadd.s32 $0xA8, v1;
	v9 =	vcvt.s32.f32 v2  }
0x112: {  	v1 =	vsel vm10, v21, v1;
	v26 =	vmul.u32 $0xFFFFF1F0, v5;
	v24 =	vmul.u32 $0xFFFFF1F0, v4  }
0x113: {  	vm11 =	vgt.s32 v3, $0xA7;
	v25 =	vadd.s32 $0xFFFFFF58, v3;
	v9 =	vmul.f32 $5.952381060e-03, v9  }
0x114: {  	v3 =	vsel vm11, v25, v3;
	v28 =	vadd.s32 v15, v26;
	v7 =	vadd.s32 v12, v24  }
0x115: {  	vm13 =	vgt.s32 v28, $0xE0F;
	v23 =	vtrunc.f32 v9;
	vm12 =	vgt.s32 v7, $0xE0F  }
0x116: {  	v7 =	vshra.s32 v7, $0x1F;
	v31 =	vsel vm13, $0x1, v0;
	v6 =	vcvt.f32.s32 v23  }
0x117: {  	v27 =	vsel vm12, $0x1, v0;
	v4 =	vadd.s32 v4, v7;
	v7 =	vshra.s32 v28, $0x1F  }
0x118: {  	v4 =	vadd.s32 v27, v4;
	v5 =	vadd.s32 v5, v7;
	v7 =	vmul.f32 $2.777777850e-04, v36  }
0x119: {  	v6 =	vmul.u32 $0xFFFFFF58, v6;
	v30 =	vcvt.s32.f32 v4;
	v5 =	vadd.s32 v31, v5  }
0x11a: {  	vm14 =	vlt.s32 v3, $0x0;
	v34 =	vcvt.s32.f32 v5;
	v7 =	vtrunc.f32 v7  }
0x11b: {  	v2 =	vadd.s32 v2, v6;
	v33 =	vmul.f32 $5.952381060e-03, v30;
	v7 =	vcvt.f32.s32 v7  }
0x11c: {  	vm15 =	vgt.s32 v2, $0xA7;
	v38 =	vadd.s32 $0xFFFFFF58, v2;
	v9 =	vmul.f32 $5.952381060e-03, v34  }
0x11d: {  	v32 =	vadd.s32 $0xA8, v3;
	v6 =	vtrunc.f32 v33;
	v2 =	vsel vm15, v38, v2  }
0x11e: {  	v43 =	vmul.u32 $0xFFFFF1F0, v7;
	v6 =	vcvt.f32.s32 v6;
	v9 =	vtrunc.f32 v9  }
0x11f: {  	vm0 =	vlt.s32 v2, $0x0;
	v12 =	vadd.s32 $0xA8, v2;
	v41 =	vcvt.f32.s32 v9  }
0x120: {  	v2 =	vsel vm0, v12, v2;
	v12 =	vmul.f32 $2.777777850e-04, v40;
	v9 =	vtrunc.f32 v42  }
0x121: {  	v8 =	vadd.s32 v29, v43;
	v6 =	vmul.u32 $0xFFFFFF58, v6;
	v9 =	vcvt.f32.s32 v9  }
0x122: {  	vm5 =	vgt.s32 v8, $0xE0F;
	v8 =	vshra.s32 v8, $0x1F;
	v12 =	vtrunc.f32 v12  }
0x123: {  	v45 =	vsel vm5, $0x1, v0;
	v7 =	vadd.s32 v7, v8;
	v4 =	vadd.s32 v4, v6  }
0x124: {  	v6 =	vmul.u32 $0xFFFFFF58, v41;
	v12 =	vcvt.f32.s32 v12;
	v46 =	vmul.u32 $0xFFFFF1F0, v9  }
0x125: {  	v7 =	vadd.s32 v45, v7;
	vm4 =	vgt.s32 v4, $0xA7;
	v44 =	vadd.s32 $0xFFFFFF58, v4  }
0x126: {  	v3 =	vsel vm14, v32, v3;
	v49 =	vcvt.s32.f32 v7;
	v4 =	vsel vm4, v44, v4  }
0x127: {  	v47 =	vmul.u32 $0xFFFFF1F0, v12;
	v5 =	vadd.s32 v5, v6;
	v48 =	vadd.s32 v35, v46  }
0x128: {  	vm6 =	vgt.s32 v5, $0xA7;
	vm7 =	vgt.s32 v48, $0xE0F;
	v8 =	vmul.f32 $5.952381060e-03, v49  }
0x129: {  	v6 =	vshra.s32 v48, $0x1F;
	v50 =	vadd.s32 v37, v47;
	v51 =	vsel vm7, $0x1, v0  }
0x12a: {  	v6 =	vadd.s32 v9, v6;
	vm8 =	vgt.s32 v50, $0xE0F;
	v52 =	vshra.s32 v50, $0x1F  }
0x12b: {  	v6 =	vadd.s32 v51, v6;
	v53 =	vsel vm8, $0x1, v0;
	v9 =	vadd.s32 v12, v52  }
0x12c: {  	v8 =	vtrunc.f32 v8;
	v11 =	vcvt.s32.f32 v6;
	v9 =	vadd.s32 v53, v9  }
0x12d: {  	v54 =	vadd.s32 $0xFFFFFF58, v5;
	v8 =	vcvt.f32.s32 v8;
	v55 =	vcvt.s32.f32 v9  }
0x12e: {  	vm9 =	vlt.s32 v4, $0x0;
	v57 =	vadd.s32 $0xA8, v4;
	v56 =	vmul.f32 $5.952381060e-03, v11  }
0x12f: {  	v5 =	vsel vm6, v54, v5;
	v8 =	vmul.u32 $0xFFFFFF58, v8;
	v12 =	vmul.f32 $5.952381060e-03, v55  }
0x130: {  	v4 =	vsel vm9, v57, v4;
	vm10 =	vlt.s32 v5, $0x0;
	v10 =	vtrunc.f32 v56  }
0x131: {  	v7 =	vadd.s32 v7, v8;
	v58 =	vcvt.f32.s32 v10;
	v59 =	vtrunc.f32 v12  }
0x132: {  	vm11 =	vgt.s32 v7, $0xA7;
	v60 =	vadd.s32 $0xFFFFFF58, v7;
	v10 =	vcvt.f32.s32 v59  }
0x133: {  	v61 =	vadd.s32 $0xA8, v5;
	v7 =	vsel vm11, v60, v7;
	v8 =	vmul.u32 $0xFFFFFF58, v58  }
0x134: {  	[tilespmem:$0x380] =	vst v1;
	vm1 =	vlt.s32 v7, $0x0;
	v1 =	vadd.s32 $0xA8, v7;
	v10 =	vmul.u32 $0xFFFFFF58, v10  }
0x135: {  	[tilespmem:$0x390] =	vst v3;
	v5 =	vsel vm10, v61, v5;
	v1 =	vsel vm1, v1, v7;
	v3 =	vadd.s32 v6, v8  }
0x136: {  	[tilespmem:$0x3A0] =	vst v2;
	vm12 =	vgt.s32 v3, $0xA7;
	v6 =	vadd.s32 $0xFFFFFF58, v3;
	v2 =	vadd.s32 v9, v10  }
0x137: {  	[tilespmem:$0x3B0] =	vst v4;
	v3 =	vsel vm12, v6, v3;
	vm13 =	vgt.s32 v2, $0xA7;
	v62 =	vadd.s32 $0xFFFFFF58, v2  }
0x138: {  	[tilespmem:$0x3C0] =	vst v5;
	vm14 =	vlt.s32 v3, $0x0;
	v63 =	vadd.s32 $0xA8, v3;
	v2 =	vsel vm13, v62, v2  }
0x139: {  	[tilespmem:$0x3D0] =	vst v1;
	v1 =	vsel vm14, v63, v3;
	vm15 =	vlt.s32 v2, $0x0;
	v3 =	vadd.s32 $0xA8, v2  }
0x13a: {  	[tilespmem:$0x3E0] =	vst v1;
	v1 =	vsel vm15, v3, v2  }
0x13b: {  	s13 =	simm.s32 @!p2 $0xC;
	[tilespmem:$0x3F0] =	vst v1  }
0x13c: {  	_ =	swait.ge @!p2 [sflag:s13], $0x4000  }
0x13d: {  	[sflag:s13] =	ssyncset.done @!p2 $0x0  }
0x13e: {  	[sflag:s13] =	ssyncadd.s32 @!p2 $0xFFFFC000  }
0x13f: {  	[tilespmem:s5], [sflag:$0x8] =	stream.indirect.gather [spmem:s1], $0x80, s3, s19, $0xb8;
	[tilespmem:$0x10940] =	vst v63  }
0x140: {  	s23 =	simm.s32 @!p1 $0x180;
	s13 =	sadd.s32 @!p1 s4, s10;
	s4 =	sadd.s32 $0x40, s4  }
0x141: {  	[tilespmem:s23], [sflag:$0x4] =	stream.linear.gather @!p1 [hbm4b:s13+s9], $0x80, $0x38;
	[tilespmem:$0x10940] =	vst v63  }
0x142: {  	p1 =	sne.s32 s4, $0x3200  }
.Ltmp3:
0x143: {  	_ =	swait.ge [sflag:s6], $0x4000;
	(pc) =	sbr.rel @!p1 .LBB2_8-.Ltmp3, $4  }
0x144: {  	[sflag:s6] =	ssyncset.done $0x0  }
0x145: {  	s18 =	sadd.s32 $0x2000, s18;
	[sflag:s6] =	ssyncadd.s32 $0xFFFFC000  }
0x146: {  	[hbm4b:s15+s2] =	stream.linear.scatter [tilespmem:s0], [sflag:$0xB], $0x4000, $0x38;
	[tilespmem:$0x10940] =	vst v63  }
0x147: {  	s17 =	sadd.s32 $0x2000, s17;
	s16 =	sadd.s32 $0x2000, s16;
	s15 =	sadd.s32 $0x2000, s15  }
.LBB2_2:
0x148: {  	_ =	swait.ge [sflag:s22], $0x80  }
0x149: {  	[sflag:s22] =	ssyncset.done $0x0  }
0x14a: {  	[sflag:s22] =	ssyncadd.s32 $0xFFFFFF80  }
0x14b: {  	v1 =	vld [tilespmem:$0x0];
	_ =	sdelay $0x4  }
0x14c: {  	v2 =	vcvt.s32.f32 v1  }
0x14d: {  	v3 =	vld [tilespmem:$0x10]  }
0x14e: {  	v2 =	vmul.f32 $2.777777850e-04, v2;
	_ =	sdelay $0x1  }
0x14f: {  	v2 =	vtrunc.f32 v2  }
0x150: {  	v2 =	vcvt.f32.s32 v2  }
0x151: {  	v5 =	vcvt.s32.f32 v3  }
0x152: {  	v4 =	vmul.u32 $0xFFFFF1F0, v2  }
0x153: {  	v19 =	vld [tilespmem:$0x30];
	v13 =	vmul.f32 $2.777777850e-04, v5  }
0x154: {  	v8 =	vld [tilespmem:$0x40];
	v1 =	vadd.s32 v1, v4  }
0x155: {  	v33 =	vld [tilespmem:$0x50];
	v4 =	vtrunc.f32 v13;
	vm0 =	vgt.s32 v1, $0xE0F;
	v1 =	vshra.s32 v1, $0x1F  }
0x156: {  	v4 =	vcvt.f32.s32 v4;
	v14 =	vsel vm0, $0x1, v0;
	v1 =	vadd.s32 v2, v1;
	v2 =	vld [tilespmem:$0x20]  }
0x157: {  	v11 =	vld [tilespmem:$0x70];
	v1 =	vadd.s32 v14, v1  }
0x158: {  	v6 =	vmul.u32 $0xFFFFF1F0, v4;
	v5 =	vcvt.s32.f32 v1  }
0x159: {  	v22 =	vcvt.s32.f32 v19;
	v25 =	vcvt.s32.f32 v8  }
0x15a: {  	v40 =	vcvt.s32.f32 v33;
	v3 =	vadd.s32 v3, v6;
	v5 =	vmul.f32 $5.952381060e-03, v5  }
0x15b: {  	vm8 =	vgt.s32 v3, $0xE0F;
	v3 =	vshra.s32 v3, $0x1F;
	v7 =	vcvt.s32.f32 v2  }
0x15c: {  	v39 =	vld [tilespmem:$0x60];
	v41 =	vcvt.s32.f32 v11;
	v16 =	vsel vm8, $0x1, v0;
	v3 =	vadd.s32 v4, v3  }
0x15d: {  	v5 =	vtrunc.f32 v5;
	v3 =	vadd.s32 v16, v3;
	v15 =	vmul.f32 $2.777777850e-04, v7  }
0x15e: {  	v5 =	vcvt.f32.s32 v5;
	v18 =	vcvt.s32.f32 v3  }
0x15f: {  	v24 =	vmul.f32 $2.777777850e-04, v22;
	v17 =	vtrunc.f32 v15  }
0x160: {  	v5 =	vmul.u32 $0xFFFFFF58, v5;
	v20 =	vmul.f32 $5.952381060e-03, v18;
	v4 =	vcvt.f32.s32 v17  }
0x161: {  	v13 =	vcvt.s32.f32 v39;
	v6 =	vmul.f32 $2.777777850e-04, v25  }
0x162: {  	v1 =	vadd.s32 v1, v5;
	v5 =	vtrunc.f32 v20;
	v21 =	vmul.u32 $0xFFFFF1F0, v4  }
0x163: {  	v43 =	vmul.f32 $2.777777850e-04, v13;
	v5 =	vcvt.f32.s32 v5  }
0x164: {  	v26 =	vtrunc.f32 v6;
	vm9 =	vgt.s32 v1, $0xA7;
	v2 =	vadd.s32 v2, v21  }
0x165: {  	v9 =	vadd.s32 $0xFFFFFF58, v1;
	v5 =	vmul.u32 $0xFFFFFF58, v5;
	vm10 =	vgt.s32 v2, $0xE0F  }
0x166: {  	v1 =	vsel vm9, v9, v1;
	v2 =	vshra.s32 v2, $0x1F;
	v23 =	vsel vm10, $0x1, v0  }
0x167: {  	v2 =	vadd.s32 v4, v2;
	v4 =	vtrunc.f32 v24;
	v3 =	vadd.s32 v3, v5  }
0x168: {  	v5 =	vcvt.f32.s32 v26;
	v2 =	vadd.s32 v23, v2;
	v4 =	vcvt.f32.s32 v4  }
0x169: {  	vm11 =	vlt.s32 v1, $0x0;
	v10 =	vadd.s32 $0xA8, v1;
	v9 =	vcvt.s32.f32 v2  }
0x16a: {  	v1 =	vsel vm11, v10, v1;
	v30 =	vmul.u32 $0xFFFFF1F0, v5;
	v28 =	vmul.u32 $0xFFFFF1F0, v4  }
0x16b: {  	vm12 =	vgt.s32 v3, $0xA7;
	v29 =	vadd.s32 $0xFFFFFF58, v3;
	v9 =	vmul.f32 $5.952381060e-03, v9  }
0x16c: {  	v3 =	vsel vm12, v29, v3;
	v32 =	vadd.s32 v8, v30;
	v7 =	vadd.s32 v19, v28  }
0x16d: {  	vm14 =	vgt.s32 v32, $0xE0F;
	v27 =	vtrunc.f32 v9;
	vm13 =	vgt.s32 v7, $0xE0F  }
0x16e: {  	v7 =	vshra.s32 v7, $0x1F;
	v35 =	vsel vm14, $0x1, v0;
	v6 =	vcvt.f32.s32 v27  }
0x16f: {  	v31 =	vsel vm13, $0x1, v0;
	v4 =	vadd.s32 v4, v7;
	v7 =	vshra.s32 v32, $0x1F  }
0x170: {  	v4 =	vadd.s32 v31, v4;
	v5 =	vadd.s32 v5, v7;
	v7 =	vmul.f32 $2.777777850e-04, v40  }
0x171: {  	v6 =	vmul.u32 $0xFFFFFF58, v6;
	v34 =	vcvt.s32.f32 v4;
	v5 =	vadd.s32 v35, v5  }
0x172: {  	vm15 =	vlt.s32 v3, $0x0;
	v38 =	vcvt.s32.f32 v5;
	v7 =	vtrunc.f32 v7  }
0x173: {  	v2 =	vadd.s32 v2, v6;
	v37 =	vmul.f32 $5.952381060e-03, v34;
	v7 =	vcvt.f32.s32 v7  }
0x174: {  	vm4 =	vgt.s32 v2, $0xA7;
	v12 =	vadd.s32 $0xFFFFFF58, v2;
	v9 =	vmul.f32 $5.952381060e-03, v38  }
0x175: {  	v36 =	vadd.s32 $0xA8, v3;
	v6 =	vtrunc.f32 v37;
	v2 =	vsel vm4, v12, v2  }
0x176: {  	v44 =	vmul.u32 $0xFFFFF1F0, v7;
	v6 =	vcvt.f32.s32 v6;
	v9 =	vtrunc.f32 v9  }
0x177: {  	vm0 =	vlt.s32 v2, $0x0;
	v12 =	vadd.s32 $0xA8, v2;
	v42 =	vcvt.f32.s32 v9  }
0x178: {  	v2 =	vsel vm0, v12, v2;
	v12 =	vmul.f32 $2.777777850e-04, v41;
	v9 =	vtrunc.f32 v43  }
0x179: {  	v8 =	vadd.s32 v33, v44;
	v6 =	vmul.u32 $0xFFFFFF58, v6;
	v9 =	vcvt.f32.s32 v9  }
0x17a: {  	vm1 =	vgt.s32 v8, $0xE0F;
	v8 =	vshra.s32 v8, $0x1F;
	v12 =	vtrunc.f32 v12  }
0x17b: {  	v45 =	vsel vm1, $0x1, v0;
	v7 =	vadd.s32 v7, v8;
	v4 =	vadd.s32 v4, v6  }
0x17c: {  	v6 =	vmul.u32 $0xFFFFFF58, v42;
	v12 =	vcvt.f32.s32 v12;
	v46 =	vmul.u32 $0xFFFFF1F0, v9  }
0x17d: {  	v7 =	vadd.s32 v45, v7;
	vm5 =	vgt.s32 v4, $0xA7;
	v14 =	vadd.s32 $0xFFFFFF58, v4  }
0x17e: {  	v3 =	vsel vm15, v36, v3;
	v49 =	vcvt.s32.f32 v7;
	v4 =	vsel vm5, v14, v4  }
0x17f: {  	v47 =	vmul.u32 $0xFFFFF1F0, v12;
	v5 =	vadd.s32 v5, v6;
	v48 =	vadd.s32 v39, v46  }
0x180: {  	vm6 =	vgt.s32 v5, $0xA7;
	vm7 =	vgt.s32 v48, $0xE0F;
	v8 =	vmul.f32 $5.952381060e-03, v49  }
0x181: {  	v6 =	vshra.s32 v48, $0x1F;
	v50 =	vadd.s32 v11, v47;
	v51 =	vsel vm7, $0x1, v0  }
0x182: {  	v6 =	vadd.s32 v9, v6;
	vm8 =	vgt.s32 v50, $0xE0F;
	v52 =	vshra.s32 v50, $0x1F  }
0x183: {  	v6 =	vadd.s32 v51, v6;
	v53 =	vsel vm8, $0x1, v0;
	v9 =	vadd.s32 v12, v52  }
0x184: {  	v8 =	vtrunc.f32 v8;
	v11 =	vcvt.s32.f32 v6;
	v9 =	vadd.s32 v53, v9  }
0x185: {  	v54 =	vadd.s32 $0xFFFFFF58, v5;
	v8 =	vcvt.f32.s32 v8;
	v55 =	vcvt.s32.f32 v9  }
0x186: {  	vm9 =	vlt.s32 v4, $0x0;
	v57 =	vadd.s32 $0xA8, v4;
	v56 =	vmul.f32 $5.952381060e-03, v11  }
0x187: {  	v5 =	vsel vm6, v54, v5;
	v8 =	vmul.u32 $0xFFFFFF58, v8;
	v12 =	vmul.f32 $5.952381060e-03, v55  }
0x188: {  	v4 =	vsel vm9, v57, v4;
	vm10 =	vlt.s32 v5, $0x0;
	v10 =	vtrunc.f32 v56  }
0x189: {  	v7 =	vadd.s32 v7, v8;
	v58 =	vcvt.f32.s32 v10;
	v59 =	vtrunc.f32 v12  }
0x18a: {  	vm11 =	vgt.s32 v7, $0xA7;
	v60 =	vadd.s32 $0xFFFFFF58, v7;
	v10 =	vcvt.f32.s32 v59  }
0x18b: {  	v61 =	vadd.s32 $0xA8, v5;
	v7 =	vsel vm11, v60, v7;
	v8 =	vmul.u32 $0xFFFFFF58, v58  }
0x18c: {  	[tilespmem:$0x200] =	vst v1;
	vm1 =	vlt.s32 v7, $0x0;
	v1 =	vadd.s32 $0xA8, v7;
	v10 =	vmul.u32 $0xFFFFFF58, v10  }
0x18d: {  	[tilespmem:$0x210] =	vst v3;
	v5 =	vsel vm10, v61, v5;
	v1 =	vsel vm1, v1, v7;
	v3 =	vadd.s32 v6, v8  }
0x18e: {  	p1 =	sne.s32 s4, $0x0;
	[tilespmem:$0x220] =	vst v2;
	vm12 =	vgt.s32 v3, $0xA7;
	v6 =	vadd.s32 $0xFFFFFF58, v3;
	v2 =	vadd.s32 v9, v10  }
.Ltmp4:
0x18f: {  	[tilespmem:$0x230] =	vst v4;
	v3 =	vsel vm12, v6, v3;
	vm13 =	vgt.s32 v2, $0xA7;
	v62 =	vadd.s32 $0xFFFFFF58, v2;
	(pc) =	sbr.rel @!p1 .LBB2_3-.Ltmp4, $4  }
0x190: {  	[tilespmem:$0x240] =	vst v5;
	vm14 =	vlt.s32 v3, $0x0;
	v63 =	vadd.s32 $0xA8, v3;
	v2 =	vsel vm13, v62, v2  }
0x191: {  	[tilespmem:$0x250] =	vst v1;
	v1 =	vsel vm14, v63, v3;
	vm15 =	vlt.s32 v2, $0x0;
	v3 =	vadd.s32 $0xA8, v2  }
0x192: {  	[tilespmem:$0x260] =	vst v1;
	v1 =	vsel vm15, v3, v2  }
0x193: {  	[tilespmem:$0x270] =	vst v1  }
0x194: {  	p2 =	seq.s32 s4, $0x31C0  }
.Ltmp5:
0x195: {  	_ = 	snop;
	(pc) =	sbr.rel @p2 .LBB2_6-.Ltmp5, $4  }
.Ltmp6:
0x196: {  	_ =	swait.ge [sflag:s8], $0x4000;
	(pc) =	sbr.rel @!p2 .LBB2_5-.Ltmp6, $4  }
0x197: {  	[sflag:s8] =	ssyncset.done $0x0  }
0x198: {  	s9 =	simm.s32 $0x200;
	p1 =	por $0x1, $0x1;
	[sflag:s8] =	ssyncadd.s32 $0xFFFFC000  }
0x199: {  	[tilespmem:s24], [sflag:$0x5] =	stream.indirect.gather [spmem:s1], $0x80, s9, s19, $0xb8;
	[tilespmem:$0x10940] =	vst v63  }
0x19a: {  	_ = 	snop  }
.LBB2_3:
0x19b: {  	s9 =	simm.s32 $0x200  }
0x19c: {  	[tilespmem:s24], [sflag:$0x5] =	stream.indirect.gather [spmem:s1], $0x80, s9, s19, $0xb8;
	[tilespmem:$0x10940] =	vst v63  }
.LBB2_5:
0x19d: {  	p2 =	seq.s32 s4, $0x0  }
.Ltmp7:
0x19e: {  	_ = 	snop;
	(pc) =	sbr.rel @!p2 .LBB2_6-.Ltmp7, $4  }
.Ltmp8:
0x19f: {  	_ = 	snop;
	(pc) =	sbr.rel @p2 .LBB2_7-.Ltmp8, $4  }
0x1a0: {  	_ = 	snop  }
0x1a1: {  	s9 =	sadd.s32 s4, s14;
	p1 =	por $0x0, $0x0  }
0x1a2: {  	[tilespmem:s2], [sflag:$0x1] =	stream.linear.gather [hbm4b:s9+s2], $0x80, $0x38;
	[tilespmem:$0x10940] =	vst v63  }
0x1a3: {  	_ = 	snop  }
.LBB2_9:
0x1a4: {  	_ =	sfence.sel $0x180000  }
0x1a5: {  	[bflag:$0x0] =	sbarrier.arrive $0xFFFF  }
0x1a6: {  	_ =	strace $0x90000047  }
0x1a7: {  	[bflag:$0x2] =	sbarrier.arrive $0xFFFF  }
0x1a8: {  	s0 =	rddreg [dreg:$0x3]  }
0x1a9: {  	s0 =	sadd.s32 @!p0 $0x100000, s0  }
0x1aa: {  	[sflag:s0] =	ssyncadd.tile.s32 @!p0 $0x1;
	_ =	shalt  }
.Lfunc_end2:
_tile_overlayer_lowered:
.L_overlay_start_2:
0x1ab: {  	(tag) =	ssettag $0x2  }
0x1ac: {  	s0 =	rddreg [dreg:$0x0];
	s2 =	stileid.u32  }
0x1ad: {  	s1 =	rddreg [dreg:$0x1];
	p0 =	sne.s32 s2, $0x0  }
0x1ae: {  	s3 =	rddreg [dreg:$0x2];
	[bflag:$0x3] =	sbarrier.arrive $0xFFFF;
	s2 =	simm.s32 @!p0 $0x1C0D  }
0x1af: {  	[timem:s3], [sflag:s2] =	dma.local @!p0 [hbm:s0], s1  }
0x1b0: {  	s0 =	simm.s32 @!p0 $0xD  }
0x1b1: {  	_ =	swait.ge @!p0 [sflag:s0], s1  }
0x1b2: {  	s1 =	ssub.s32 @!p0 $0x0, s1;
	[sflag:s0] =	ssyncset.done @!p0 $0x0  }
0x1b3: {  	[sflag:s0] =	ssyncadd.s32 @!p0 s1  }
0x1b4: {  	[bflag:$0x3] =	sbarrier.arrive $0xFFFF  }
0x1b5: {  	_ =	shalt  }

// kernel: sparse-core-data-format-call.cloned.1.call-start
scs
called_computation_lowered:
.L_overlay_start_0:
0x0: {  	s2 =	sld [smem:$0x3FD9]  }
0x1: {  	s3 =	sld [smem:$0x3FFE];
	_ =	sdelay $0x1  }
0x2: {  	s1 =	srdreg.scid  }
0x3: {  	s0 =	sand.u32 $0x1, s1  }
0x4: {  	s18 =	sshll.u32 s0, $0xA;
	s2 =	sadd.s32 s3, s2  }
0x5: {  	s2 =	sadd.s32 s2, s18  }
0x6: {  	[smem:$0x3FC6] =	sst s2  }
0x7: {  	_ = 	snop  }
0x8: {  	s2 =	sld [smem:$0x3FD0];
	(tm) =	ssettm $0x1  }
0x9: {  	s19 =	sld [smem:$0x3FFB];
	_ =	sdelay $0x3  }
0xa: {  	_ =	strace s19  }
0xb: {  	s3 =	sld [smem:$0x3FFC];
	_ =	sdelay $0x3  }
0xc: {  	_ =	strace s3  }
0xd: {  	s3 =	sld [smem:$0x3FFD];
	_ =	sdelay $0x3  }
0xe: {  	_ =	strace s3  }
0xf: {  	_ =	strace $0x8FFFFFFF  }
0x10: {  	s20 =	sld [smem:$0x3FDB];
	_ =	sdelay $0x1  }
0x11: {  	s4 =	simm.s32 $_scs_section_size  }
0x12: {  	s5 =	simm.s32 $_size__tile_overlayer_lowered;
	s6 =	simm.s32 $_tile_overlayer_lowered  }
0x13: {  	s23 =	simm.s32 $0x1BFF;
	s22 =	sshll.u32 s6, $0x1;
	s3 =	sadd.s32 s4, s20  }
0x14: {  	s7 =	simm.s32 $0x0;
	s21 =	sshll.u32 s5, $0x1;
	s5 =	sadd.s32 s22, s3  }
0x15: {  	[timem:s7], [sflag:s23] =	dma.local [hbm:s5], s21  }
0x16: {  	_ =	swait.ge [sflag:s23], s21  }
0x17: {  	s4 =	ssub.s32 $0x0, s21;
	[sflag:s23] =	ssyncset.done $0x0  }
0x18: {  	[sflag:s23] =	ssyncadd.s32 s4;
	_ =	sdelay $0x1  }
0x19: {  	s24 =	simm.s32 $0x1B8B  }
0x1a: {  	_ =	swait.ge [sflag:s24], $0x1  }
0x1b: {  	[sflag:s24] =	ssyncset.done $0x0  }
0x1c: {  	s26 =	simm.s32 $0x1B8E;
	s25 =	sld [smem:$0x3FFE];
	[sflag:s24] =	ssyncadd.s32 $0xFFFFFFFF  }
0x1d: {  	s27 =	simm.s32 $execute0_lowered;
	[smem:$0x3FD2] =	sst s26  }
0x1e: {  	s5 =	sshll.u32 s27, $0x1;
	_ =	strace $0x80000049;
	[dreg:$0x1] =	wrdreg $0xFFFFFFFF  }
0x1f: {  	s28 =	simm.s32 $_size_execute0_lowered;
	s3 =	sadd.s32 s3, s5;
	[dreg:$0x0] =	wrdreg $0x0  }
0x20: {  	s5 =	sshll.u32 s28, $0x1;
	[dreg:$0x2] =	wrdreg s3  }
0x21: {  	[dreg:$0x3] =	wrdreg s5  }
0x22: {  	[dreg:$0x4] =	wrdreg $0xC0  }
0x23: {  	_ =	task [dreg:s7], $0x5FFFF  }
0x24: {  	[dreg:$0x1] =	wrdreg $0xFFFFFFFF  }
0x25: {  	[dreg:$0x0] =	wrdreg $0x60  }
0x26: {  	[dreg:$0x2] =	wrdreg s25  }
0x27: {  	[dreg:$0x3] =	wrdreg s2  }
0x28: {  	[dreg:$0x4] =	wrdreg $0x9  }
0x29: {  	_ =	task.clear_ibuf [dreg:s7], $0x5FFFF;
	_ =	strace $0x90000049  }
0x2a: {  	s29 =	simm.s32 $0x9;
	_ =	strace $0x8000004B  }
0x2b: {  	_ =	swait.ge [sflag:s29], $0x1  }
0x2c: {  	[sflag:s29] =	ssyncadd.s32 $0xFFFFFFFF  }
0x2d: {  	_ =	strace $0x9000004B  }
0x2e: {  	_ =	sfence  }
0x2f: {  	s30 =	sld [smem:$0x0];
	_ =	sdelay $0x2  }
0x30: {  	s31 =	sshll.u32 s1, $0xD;
	s1 =	sshrl.u32 s1, $0x2  }
0x31: {  	s3 =	sand.u32 $0x4000, s31;
	s1 =	sadd.s32 s1, s30  }
0x32: {  	s0 =	sor.u32 s3, s0;
	s1 =	sshll.u32 s1, $0x11  }
0x33: {  	s0 =	sor.u32 s1, s0  }
0x34: {  	s0 =	sadd.s32 $0x8F2B, s0  }
0x35: {  	[sflag:s0] =	ssyncadd.remote.s32 $0x1  }
0x36: {  	_ =	sfence.sel $0xFFFF  }
0x37: {  	[dreg:$0x0] =	wrdreg $0xFFFFFFFF;
	(pc) =	sbr.abs _section_cstart, $3  }
0x38: {  	[dreg:$0x1] =	wrdreg $0xFFFFFFFF  }
0x39: {  	_ =	task.clear_ibuf [dreg:s7], $0x2FFFF;
	_ =	strace $0x9FFFFFFF  }
0x3a: {  	(tm) =	ssettm $0x7FFFFFFF  }
0x3b: {  	_ =	shalt  }
tec
execute0_lowered:
.L_overlay_start_1:
0x0: {  	(tag) =	ssettag $0x1  }
0x1: {  	s0 =	srdreg.scid  }
0x2: {  	s1 =	sshll.u32 s0, $0x4  }
0x3: {  	s0 =	stileid.u32;
	s1 =	sand.u32 $0x10, s1  }
0x4: {  	s1 =	sor.u32 s0, s1  }
0x5: {  	s6 =	rddreg [dreg:$0x0];
	s4 =	simm.s32 $0x1;
	s2 =	sshll.u32 s1, $0x7  }
0x6: {  	s7 =	simm.s32 $0x2;
	s12 =	simm.s32 $0x0;
	s1 =	ssub.s32 $0x4000, s2  }
0x7: {  	s8 =	simm.s32 $0x20000;
	s13 =	simm.s32 $0x0;
	s3 =	sand.u32 $0xF80, s1  }
0x8: {  	s9 =	simm.s32 $0x0;
	s5 =	sshrl.u32 s1, $0xC;
	p0 =	sne.s32 s3, $0x0  }
.Ltmp0:
0x9: {  	s1 =	rddreg [dreg:$0x2];
	s4 =	simm.s32 @!p0 $0x0;
	(pc) =	sbr.rel .LBB1_1-.Ltmp0, $4  }
0xa: {  	s11 =	simm.s32 $0x0;
	s3 =	rddreg [dreg:$0x1];
	s5 =	sadd.s32 s4, s5  }
0xb: {  	_ =	strace $0x8000004A;
	s4 =	simm.s32 $0x1;
	s5 =	smul.u32 $0xC8, s5  }
0xc: {  	s6 =	sadd.s32 $0x1400, s6;
	s10 =	smov.u32 s2;
	[sflag:s4] =	ssyncpa.u1 $0x0  }
0xd: {  	p0 =	por $0x0, $0x0;
	[sflag:s7] =	ssyncpa.u1 $0x0;
	s7 =	sor.u32 $0x1, s5  }
.LBB1_4:
0xe: {  	s16 =	sshll.u32 s13, $0x3;
	s17 =	sand.u32 $0x78, s13  }
0xf: {  	s30 =	sand.u32 $0x1F800, s13;
	s12 =	sshll.u32 s12, $0x11;
	s16 =	sand.u32 $0x3C00, s16  }
0x10: {  	[tilespmem:s15+$0x810 ss:$0x81] =	vst.msk $0xffff, v2;
	s31 =	sand.u32 $0x7, s13;
	s16 =	sor.u32 s17, s16;
	s17 =	sadd.s32 s3, s30  }
0x11: {  	[tilespmem:s15+$0x1020 ss:$0x81] =	vst.msk $0xffff, v0;
	s13 =	sshll.u32 s31, $0x12;
	s12 =	sadd.s32 s12, s17;
	s16 =	sshrl.u32 s16, $0x3  }
0x12: {  	[tilespmem:s15+$0x0 ss:$0x81] =	vst.msk $0xffff, v1;
	s13 =	sor.u32 $0x400, s13;
	s12 =	sadd.s32 s16, s12  }
0x13: {  	[hbm4b:s12+s13] =	stream.strided.scatter [tilespmem:s14], [sflag:$0x2], $0x2000, s8, s13, $0x20;
	[tilespmem:$0x8080] =	vst v63  }
.LBB1_5:
0x14: {  	s14 =	sadd.s32 $0x1, s9  }
0x15: {  	s12 =	sadd.s32 $0x1000, s10;
	s16 =	smov.u32 s10;
	p2 =	sgt.s32 s14, $0xC7  }
0x16: {  	s16 =	smov.u32 @p2 s12  }
0x17: {  	s14 =	simm.s32 @p2 $0x0;
	p2 =	sgt.s32 s16, $0x3FFF  }
0x18: {  	s16 =	smov.u32 @p2 s2;
	p2 =	sne.s32 s11, s7  }
.Ltmp1:
0x19: {  	p1 =	slt.u32 s11, $0x2;
	(pc) =	sbr.rel @!p2 .LBB1_6-.Ltmp1, $4  }
0x1a: {  	s15 =	simm.s32 @!p1 $0x2  }
0x1b: {  	s13 =	smov.u32 s10;
	p0 =	por !p0, !p0;
	_ =	swait.ge @!p1 [sflag:s15], $0x2000  }
0x1c: {  	s12 =	smov.u32 s9;
	[sflag:s15] =	ssyncset.done @!p1 $0x0;
	s9 =	smov.u32 s14  }
0x1d: {  	s11 =	sadd.s32 $0x1, s11;
	[sflag:s15] =	ssyncadd.s32 @!p1 $0xFFFFE000;
	s10 =	smov.u32 s16  }
.LBB1_1:
0x1e: {  	p1 =	sge.u32 s11, s5  }
0x1f: {  	s14 =	sand.u32 @!p1 $0x1FFFFFF, s9  }
0x20: {  	s15 =	smulhi.u32 @!p1 $0x147AE15, s14;
	_ =	sdelay $0x1  }
0x21: {  	s15 =	smul.u32 @!p1 $0xC8, s15  }
0x22: {  	s16 =	sxor.u32 @!p1 $0xFFFFFFFF, s11;
	s17 =	smul.u32 @!p1 $0xC80, s10  }
0x23: {  	s31 =	sadd.s32 $0xFFFFFFFF, s11;
	s16 =	sshll.u32 @!p1 s16, $0xD;
	s14 =	ssub.s32 @!p1 s14, s15  }
0x24: {  	s15 =	sand.u32 @!p1 $0x2000, s16;
	s16 =	sadd.s32 @!p1 s6, s17;
	s14 =	sshll.u32 @!p1 s14, $0x4  }
0x25: {  	s17 =	simm.s32 @!p1 $0x6400;
	s14 =	sadd.s32 @!p1 s14, s16;
	s16 =	simm.s32 @!p1 $0x40  }
0x26: {  	[tilespmem:s15], [sflag:$0x1] =	stream.strided.gather @!p1 [hbm4b:s14+s16], $0x2000, s17, s16, $0x38;
	[tilespmem:$0x8080] =	vst v63  }
0x27: {  	p1 =	sge.u32 s31, s5  }
.Ltmp2:
0x28: {  	_ = 	snop;
	(pc) =	sbr.rel @p1 .LBB1_5-.Ltmp2, $1  }
0x29: {  	_ =	sdelay $0x3  }
0x2a: {  	s14 =	simm.s32 $0x1  }
0x2b: {  	_ =	swait.ge [sflag:s4], $0x2000;
	s14 =	simm.s32 @!p0 $0x0  }
0x2c: {  	[sflag:s4] =	ssyncset.done $0x0;
	s15 =	sshll.u32 s14, $0xD  }
0x2d: {  	[sflag:s4] =	ssyncadd.s32 $0xFFFFE000;
	s18 =	sor.u32 $0x20, s15  }
0x2e: {  	s14 =	smul.u32 $0x8100, s14;
	v3 =	vld [tilespmem:s18+$0x10]  }
0x2f: {  	s30 =	sand.u32 $0x1, s11;
	v2 =	vld [tilespmem:s18+$0xFFFFFFF0]  }
0x30: {  	s15 =	smul.u32 $0x8100, s30;
	s14 =	sshrl.u32 s14, $0x2;
	v0 =	vld [tilespmem:s18+$0x0]  }
0x31: {  	v1 =	vld [tilespmem:s18+$0xFFFFFFE0];
	s16 =	sor.u32 $0x4000, s14  }
0x32: {  	s31 =	sshrl.u32 s15, $0x2;
	s15 =	sadd.s32 $0x0, s16  }
0x33: {  	s17 =	simm.s32 $0x4;
	s18 =	sadd.s32 $0x40, s18;
	s14 =	sor.u32 $0x4000, s31;
	[tilespmem:s15+$0x1830 ss:$0x81] =	vst.msk $0xffff, v3  }
.LBB1_3:
0x34: {  	v3 =	vld [tilespmem:s18+$0x10];
	p1 =	sne.s32 s17, $0x1FC;
	[tilespmem:s15+$0x810 ss:$0x81] =	vst.msk $0xffff, v2;
	s19 =	smov.u32 s17;
	s17 =	sadd.s32 $0x4, s17  }
.Ltmp3:
0x35: {  	v2 =	vld [tilespmem:s18+$0xFFFFFFF0];
	[tilespmem:s15+$0x1020 ss:$0x81] =	vst.msk $0xffff, v0;
	(pc) =	sbr.rel @p1 .LBB1_3-.Ltmp3, $4  }
0x36: {  	v0 =	vld [tilespmem:s18+$0x0];
	[tilespmem:s15+$0x0 ss:$0x81] =	vst.msk $0xffff, v1  }
0x37: {  	s15 =	sshra.s32 s19, $0x2;
	v1 =	vld [tilespmem:s18+$0xFFFFFFE0]  }
0x38: {  	s15 =	sadd.s32 s15, s16  }
0x39: {  	s18 =	sadd.s32 $0x40, s18;
	[tilespmem:s15+$0x1830 ss:$0x81] =	vst.msk $0xffff, v3  }
.Ltmp4:
0x3a: {  	_ = 	snop;
	(pc) =	sbr.rel .LBB1_4-.Ltmp4, $1  }
0x3b: {  	_ =	sdelay $0x3  }
.LBB1_6:
0x3c: {  	_ =	sfence.sel $0x180000  }
0x3d: {  	s2 =	simm.s32 $0x1;
	[bflag:$0x0] =	sbarrier.arrive $0xFFFF  }
0x3e: {  	s31 =	simm.s32 $0x2;
	[sflag:s2] =	ssyncpa.u1 $0x1  }
0x3f: {  	[sflag:s31] =	ssyncpa.u1 $0x1  }
0x40: {  	p0 =	sne.s32 s0, $0x0;
	_ =	strace $0x9000004A  }
0x41: {  	s0 =	sadd.s32 @!p0 $0x100000, s1;
	[bflag:$0x2] =	sbarrier.arrive $0xFFFF  }
0x42: {  	[sflag:s0] =	ssyncadd.tile.s32 @!p0 $0x1;
	_ =	shalt  }
.Lfunc_end1:
_tile_overlayer_lowered:
.L_overlay_start_2:
0x43: {  	(tag) =	ssettag $0x2  }
0x44: {  	s0 =	rddreg [dreg:$0x0];
	s2 =	stileid.u32  }
0x45: {  	s1 =	rddreg [dreg:$0x1];
	p0 =	sne.s32 s2, $0x0  }
0x46: {  	s3 =	rddreg [dreg:$0x2];
	[bflag:$0x3] =	sbarrier.arrive $0xFFFF;
	s2 =	simm.s32 @!p0 $0x1C01  }
0x47: {  	[timem:s3], [sflag:s2] =	dma.local @!p0 [hbm:s0], s1  }
0x48: {  	s0 =	simm.s32 @!p0 $0x1  }
0x49: {  	_ =	swait.ge @!p0 [sflag:s0], s1  }
0x4a: {  	s1 =	ssub.s32 @!p0 $0x0, s1;
	[sflag:s0] =	ssyncset.done @!p0 $0x0  }
0x4b: {  	[sflag:s0] =	ssyncadd.s32 @!p0 s1  }
0x4c: {  	[bflag:$0x3] =	sbarrier.arrive $0xFFFF  }
0x4d: {  	_ =	shalt  }

</sc_bundles>
